<compile_context>
chip_gen: v7x
topology: tpu7x:2x2x1
jax: 0.10.2.dev20260603
libtpu: 0.0.44.dev20260713+nightly
codegen_flags: <defaults>
</compile_context>

<pallas_src>
import functools

import jax
import jax.numpy as jnp
from jax import lax
from jax.experimental import pallas as pl
from jax.experimental.pallas import tpu as pltpu
from jax.experimental.pallas import tpu_sc as plsc

N = 10000
E = 160000
D = 256
H = D // 2
NTILES = 16
EDGES_PER_TILE = E // NTILES
CHUNK = 128
NCHUNKS = 80
NPAIRS = NCHUNKS // 2
EDGES_PAD = NCHUNKS * CHUNK
ROWS_PER_TILE = 632
NPAD = ROWS_PER_TILE * NTILES


def _sc_agg_body(xlo, xhi, idx_h, dst_h, zeros_h, dummy_h, lo_out, hi_out,
                 pair_a, pair_b, rows_a, rows_b, dst_v, accum,
                 sem_ia, sem_ib, sem_ga, sem_gb, sem_sa, sem_sb):
    c = lax.axis_index("c")
    s = lax.axis_index("s")

    def fetch_pair(p, pbuf, sem):
        pltpu.async_copy(idx_h.at[s, p], pbuf, sem)

    def gather(idx_row, rbuf, sem):
        @pl.when(c == 0)
        def _():
            pltpu.async_copy(xlo.at[idx_row], rbuf, sem)

        @pl.when(c == 1)
        def _():
            pltpu.async_copy(xhi.at[idx_row], rbuf, sem)

    def scatter(rbuf, j, sem):
        pltpu.async_copy(rbuf, accum.at[dst_v.at[j]], sem, add=True)

    def wait_idx(pbuf, sem):
        pltpu.make_async_copy(idx_h.at[s, 0], pbuf, sem).wait()

    def wait_rows(rbuf, sem):
        pltpu.make_async_copy(dummy_h, rbuf, sem).wait()

    pltpu.sync_copy(dst_h.at[s], dst_v)
    pltpu.sync_copy(idx_h.at[s, 0], pair_a)
    gather(pair_a.at[0], rows_a, sem_ga)
    fetch_pair(1, pair_b, sem_ib)
    pltpu.sync_copy(dummy_h, rows_b)
    pltpu.sync_copy(zeros_h, accum.at[pl.ds(s * ROWS_PER_TILE, ROWS_PER_TILE)])
    plsc.subcore_barrier()
    scatter(rows_b, 0, sem_sb)

    def phase(j, p_cur, p_nxt, sem_i_cur, sem_i_nxt):
        wait_rows(rows_a, sem_ga)
        scatter(rows_a, j, sem_sa)
        wait_rows(rows_b, sem_sb)
        gather(p_cur.at[1], rows_b, sem_gb)
        wait_rows(rows_b, sem_gb)
        scatter(rows_b, j + 1, sem_sb)
        wait_idx(p_nxt, sem_i_nxt)
        wait_rows(rows_a, sem_sa)
        gather(p_nxt.at[0], rows_a, sem_ga)
        fetch_pair(((j + 4) // 2) % NPAIRS, p_cur, sem_i_cur)

    def quad_step(g, carry):
        j = 4 * g
        phase(j, pair_a, pair_b, sem_ia, sem_ib)
        phase(j + 2, pair_b, pair_a, sem_ib, sem_ia)
        return carry

    lax.fori_loop(0, NCHUNKS // 4, quad_step, 0)
    wait_rows(rows_b, sem_sb)
    wait_rows(rows_a, sem_ga)
    wait_idx(pair_b, sem_ib)
    plsc.subcore_barrier()

    row0 = s * ROWS_PER_TILE

    @pl.when(c == 0)
    def _():
        pltpu.sync_copy(accum.at[pl.ds(row0, ROWS_PER_TILE)],
                        lo_out.at[pl.ds(row0, ROWS_PER_TILE)])

    @pl.when(c == 1)
    def _():
        pltpu.sync_copy(accum.at[pl.ds(row0, ROWS_PER_TILE)],
                        hi_out.at[pl.ds(row0, ROWS_PER_TILE)])


_sc_agg = functools.partial(
    pl.kernel,
    mesh=plsc.VectorSubcoreMesh(core_axis_name="c", subcore_axis_name="s"),
    out_type=(jax.ShapeDtypeStruct((NPAD, H), jnp.float32),
              jax.ShapeDtypeStruct((NPAD, H), jnp.float32)),
    scratch_types=[
        pltpu.VMEM((2, CHUNK), jnp.int32),
        pltpu.VMEM((2, CHUNK), jnp.int32),
        pltpu.VMEM((CHUNK, H), jnp.float32),
        pltpu.VMEM((CHUNK, H), jnp.float32),
        pltpu.VMEM((NCHUNKS, CHUNK), jnp.int32),
        pltpu.VMEM_SHARED((NPAD, H), jnp.float32),
        pltpu.SemaphoreType.DMA,
        pltpu.SemaphoreType.DMA,
        pltpu.SemaphoreType.DMA,
        pltpu.SemaphoreType.DMA,
        pltpu.SemaphoreType.DMA,
        pltpu.SemaphoreType.DMA,
    ],
)(_sc_agg_body)


ROWS_BLK = 1000


def _mm_pre1_body(x_r, wl1_r, b1_r, t_r):
    t_r[...] = (jnp.dot(x_r[...], wl1_r[...],
                        preferred_element_type=jnp.float32) + b1_r[...])


def _mm_mid_body(alo_r, ahi_r, t_r, w1_r, x_r, wl2_r, b2_r,
                 lo_r, hi_r, t2_r):
    h = jnp.dot(alo_r[...], w1_r[:H, :], preferred_element_type=jnp.float32)
    h = h + jnp.dot(ahi_r[...], w1_r[H:, :], preferred_element_type=jnp.float32)
    h = h + t_r[...]
    lo_r[...] = h[:, :H]
    hi_r[...] = h[:, H:]
    t2 = jnp.dot(h, wl2_r[...], preferred_element_type=jnp.float32)
    t2_r[...] = t2 + b2_r[...] + x_r[...]


def _mm_post2_body(alo_r, ahi_r, t_r, w2_r, out_r):
    h = jnp.dot(alo_r[...], w2_r[:H, :], preferred_element_type=jnp.float32)
    h = h + jnp.dot(ahi_r[...], w2_r[H:, :], preferred_element_type=jnp.float32)
    out_r[...] = (t_r[...] + h) * 0.5


def _row_blk(i):
    return (i, 0)


def _full(i):
    return (0, 0)


_half_spec = pl.BlockSpec((ROWS_BLK, H), _row_blk)
_fullrow_spec = pl.BlockSpec((ROWS_BLK, D), _row_blk)
_w_spec = pl.BlockSpec((D, D), _full)
_b_spec = pl.BlockSpec((1, D), _full)

_mm_pre1 = pl.pallas_call(
    _mm_pre1_body,
    grid=(N // ROWS_BLK,),
    in_specs=[_fullrow_spec, _w_spec, _b_spec],
    out_specs=_fullrow_spec,
    out_shape=jax.ShapeDtypeStruct((N, D), jnp.float32),
)

_mm_mid = pl.pallas_call(
    _mm_mid_body,
    grid=(N // ROWS_BLK,),
    in_specs=[_half_spec, _half_spec, _fullrow_spec, _w_spec, _fullrow_spec,
              _w_spec, _b_spec],
    out_specs=[_half_spec, _half_spec, _fullrow_spec],
    out_shape=(jax.ShapeDtypeStruct((N, H), jnp.float32),
               jax.ShapeDtypeStruct((N, H), jnp.float32),
               jax.ShapeDtypeStruct((N, D), jnp.float32)),
)

_mm_post2 = pl.pallas_call(
    _mm_post2_body,
    grid=(N // ROWS_BLK,),
    in_specs=[_half_spec, _half_spec, _fullrow_spec, _w_spec],
    out_specs=_fullrow_spec,
    out_shape=jax.ShapeDtypeStruct((N, D), jnp.float32),
)


def kernel(x, edge_index, W1, Wl1, b1, W2, Wl2, b2):
    x_lo = x[:, :H]
    x_hi = x[:, H:]
    npadlen = EDGES_PAD - EDGES_PER_TILE
    pad_src = jnp.broadcast_to(
        jnp.arange(npadlen, dtype=jnp.int32) * 61 % N, (NTILES, npadlen))
    pad_dst = jnp.broadcast_to(
        N + (jnp.arange(npadlen, dtype=jnp.int32) % (NPAD - N)),
        (NTILES, npadlen))
    src_h = jnp.concatenate(
        [edge_index[0].reshape(NTILES, EDGES_PER_TILE), pad_src], axis=1
    ).reshape(NTILES, NCHUNKS, CHUNK)
    dst_h = jnp.concatenate(
        [edge_index[1].reshape(NTILES, EDGES_PER_TILE), pad_dst],
        axis=1,
    ).reshape(NTILES, NCHUNKS, CHUNK)
    idx_h = src_h.reshape(NTILES, NPAIRS, 2, CHUNK)
    zeros = jnp.zeros((ROWS_PER_TILE, H), jnp.float32)
    dummy = jnp.zeros((CHUNK, H), jnp.float32)
    b1r = b1.reshape(1, D)
    b2r = b2.reshape(1, D)

    t1 = _mm_pre1(x, Wl1, b1r)
    a1lo, a1hi = _sc_agg(x_lo, x_hi, idx_h, dst_h, zeros, dummy)
    h1lo, h1hi, t2 = _mm_mid(a1lo, a1hi, t1, W1, x, Wl2, b2r)
    a2lo, a2hi = _sc_agg(h1lo, h1hi, idx_h, dst_h, zeros, dummy)
    return _mm_post2(a2lo, a2hi, t2, W2)

# --- scband reference (transcript-rebuilt; emitter-appended) ---
"""Pipeline reference for scband-gres-block-85160611545812 (READ-ONLY COPY).

The authoritative reference and input builder live on the scoring server;
editing this copy changes nothing except your own understanding.
"""

import jax, jax.numpy as jnp
import numpy as np

N = 10000
E = 160000
D = 256


def setup_inputs(seed: int = 0) -> dict:
    key = jax.random.key(seed)
    ks = jax.random.split(key, 9)
    x = jax.random.normal(ks[0], (N, D), dtype=jnp.float32)
    edge_index = jax.random.randint(ks[1], (2, E), 0, N, dtype=jnp.int32)
    scale = 1.0 / np.sqrt(D)
    W1 = jax.random.normal(ks[2], (D, D), dtype=jnp.float32) * scale
    Wl1 = jax.random.normal(ks[3], (D, D), dtype=jnp.float32) * scale
    b1 = jnp.zeros((D,), dtype=jnp.float32)
    W2 = jax.random.normal(ks[4], (D, D), dtype=jnp.float32) * scale
    Wl2 = jax.random.normal(ks[5], (D, D), dtype=jnp.float32) * scale
    b2 = jnp.zeros((D,), dtype=jnp.float32)
    return {"x": x, "edge_index": edge_index, "W1": W1, "Wl1": Wl1, "b1": b1, "W2": W2, "Wl2": Wl2, "b2": b2}


def _gconv(x, W, Wl, b, src, dst):
    # neighbor transform + sparse-adjacency aggregation (scatter-add by dst)
    support = x @ W
    agg = jax.ops.segment_sum(jnp.take(support, src, axis=0), dst, num_segments=N)
    # self-loop transform
    return agg + x @ Wl + b


def reference(x, edge_index, W1, Wl1, b1, W2, Wl2, b2):
    src = edge_index[0]
    dst = edge_index[1]
    h = _gconv(x, W1, Wl1, b1, src, dst)
    h = _gconv(h, W2, Wl2, b2, src, dst)
    return (x + h) * 0.5

if __name__ == "__main__":
    import jax
    _d = setup_inputs()
    print(jax.jit(kernel)(*tuple(_d.values())))

</pallas_src>

<mosaic_0001>
#map = affine_map<(d0, d1) -> (0, 0)>
#map1 = affine_map<(d0, d1) -> (0, 0, 0, 0)>
#map2 = affine_map<(d0, d1) -> (0, 0, 0)>
module attributes {stable_mosaic.version = 14 : i64} {
  func.func @_sc_agg_body(%arg0: i32, %arg1: i32, %arg2: memref<10000x128xf32, #tpu.memory_space<hbm>>, %arg3: memref<10000x128xf32, #tpu.memory_space<hbm>>, %arg4: memref<16x40x2x128xi32, #tpu.memory_space<hbm>>, %arg5: memref<16x80x128xi32, #tpu.memory_space<hbm>>, %arg6: memref<632x128xf32, #tpu.memory_space<hbm>>, %arg7: memref<128x128xf32, #tpu.memory_space<hbm>>, %arg8: memref<10112x128xf32, #tpu.memory_space<hbm>>, %arg9: memref<10112x128xf32, #tpu.memory_space<hbm>>, %arg10: memref<2x128xi32, #tpu.memory_space<vmem>>, %arg11: memref<2x128xi32, #tpu.memory_space<vmem>>, %arg12: memref<128x128xf32, #tpu.memory_space<vmem>>, %arg13: memref<128x128xf32, #tpu.memory_space<vmem>>, %arg14: memref<80x128xi32, #tpu.memory_space<vmem>>, %arg15: memref<10112x128xf32, #tpu.memory_space<vmem_shared>>, %arg16: memref<!tpu.dma_semaphore, #tpu.memory_space<semaphore_mem>>, %arg17: memref<!tpu.dma_semaphore, #tpu.memory_space<semaphore_mem>>, %arg18: memref<!tpu.dma_semaphore, #tpu.memory_space<semaphore_mem>>, %arg19: memref<!tpu.dma_semaphore, #tpu.memory_space<semaphore_mem>>, %arg20: memref<!tpu.dma_semaphore, #tpu.memory_space<semaphore_mem>>, %arg21: memref<!tpu.dma_semaphore, #tpu.memory_space<semaphore_mem>>) attributes {dimension_semantics = [#tpu.dimension_semantics<core_parallel>, #tpu.dimension_semantics<subcore_parallel>], iteration_bounds = array<i64: 2, 16>, scalar_prefetch = 0 : i64, scratch_operands = 12 : i64, tpu.core_type = #tpu.core_type<sc_vector_subcore>, window_params = [{transform_indices = #map}, {transform_indices = #map}, {transform_indices = #map1}, {transform_indices = #map2}, {transform_indices = #map}, {transform_indices = #map}, {transform_indices = #map}, {transform_indices = #map}]} {
    "tpu.region"() ({
      %run_scoped3A_51 = tpu.sem_alloc : memref<!tpu.dma_semaphore, #tpu.memory_space<semaphore_mem>>
      %dma_start3A_52 = arith.constant 0 : i32
      %dma_start3A_53 = arith.constant 0 : i32
      %dma_start3A_54 = tpu.memref_slice %arg5[%arg1, %dma_start3A_52, %dma_start3A_53] : memref<16x80x128xi32, #tpu.memory_space<hbm>> -> memref<1x80x128xi32, #tpu.memory_space<hbm>>
      %dma_start3A_55 = tpu.memref_squeeze %dma_start3A_54 : memref<1x80x128xi32, #tpu.memory_space<hbm>> -> memref<80x128xi32, #tpu.memory_space<hbm>>
      %dma_start3A_56 = arith.constant 0 : i32
      %dma_start3A_57 = arith.constant 0 : i32
      %dma_start3A_58 = tpu.memref_slice %arg5[%arg1, %dma_start3A_56, %dma_start3A_57] : memref<16x80x128xi32, #tpu.memory_space<hbm>> -> memref<1x80x128xi32, #tpu.memory_space<hbm>>
      %dma_start3A_59 = tpu.memref_squeeze %dma_start3A_58 : memref<1x80x128xi32, #tpu.memory_space<hbm>> -> memref<80x128xi32, #tpu.memory_space<hbm>>
      tpu.enqueue_dma source(%dma_start3A_59 : memref<80x128xi32, #tpu.memory_space<hbm>>) target(%arg14 : memref<80x128xi32, #tpu.memory_space<vmem>>) target_semaphore(%run_scoped3A_51 : memref<!tpu.dma_semaphore, #tpu.memory_space<semaphore_mem>>)
      %dma_wait3A_60 = arith.constant 0 : i32
      %dma_wait3A_61 = arith.constant 0 : i32
      %dma_wait3A_62 = tpu.memref_slice %arg5[%arg1, %dma_wait3A_60, %dma_wait3A_61] : memref<16x80x128xi32, #tpu.memory_space<hbm>> -> memref<1x80x128xi32, #tpu.memory_space<hbm>>
      %dma_wait3A_63 = tpu.memref_squeeze %dma_wait3A_62 : memref<1x80x128xi32, #tpu.memory_space<hbm>> -> memref<80x128xi32, #tpu.memory_space<hbm>>
      %dma_wait3A_64 = arith.constant 0 : i32
      %dma_wait3A_65 = arith.constant 0 : i32
      %dma_wait3A_66 = tpu.memref_slice %arg5[%arg1, %dma_wait3A_64, %dma_wait3A_65] : memref<16x80x128xi32, #tpu.memory_space<hbm>> -> memref<1x80x128xi32, #tpu.memory_space<hbm>>
      %dma_wait3A_67 = tpu.memref_squeeze %dma_wait3A_66 : memref<1x80x128xi32, #tpu.memory_space<hbm>> -> memref<80x128xi32, #tpu.memory_space<hbm>>
      tpu.wait_dma2 semaphore(%run_scoped3A_51 : memref<!tpu.dma_semaphore, #tpu.memory_space<semaphore_mem>>) src(%dma_wait3A_67 : memref<80x128xi32, #tpu.memory_space<hbm>>) dst(%arg14 : memref<80x128xi32, #tpu.memory_space<vmem>>)
      tpu.yield
    }) : () -> ()
    %run_scoped3A = arith.constant 0 : i32
    "tpu.region"() ({
      %run_scoped3A_51 = tpu.sem_alloc : memref<!tpu.dma_semaphore, #tpu.memory_space<semaphore_mem>>
      %dma_start3A_52 = arith.constant 0 : i32
      %dma_start3A_53 = arith.constant 0 : i32
      %dma_start3A_54 = tpu.memref_slice %arg4[%arg1, %run_scoped3A, %dma_start3A_52, %dma_start3A_53] : memref<16x40x2x128xi32, #tpu.memory_space<hbm>> -> memref<1x1x2x128xi32, #tpu.memory_space<hbm>>
      %dma_start3A_55 = tpu.memref_squeeze %dma_start3A_54 : memref<1x1x2x128xi32, #tpu.memory_space<hbm>> -> memref<2x128xi32, #tpu.memory_space<hbm>>
      %dma_start3A_56 = arith.constant 0 : i32
      %dma_start3A_57 = arith.constant 0 : i32
      %dma_start3A_58 = tpu.memref_slice %arg4[%arg1, %run_scoped3A, %dma_start3A_56, %dma_start3A_57] : memref<16x40x2x128xi32, #tpu.memory_space<hbm>> -> memref<1x1x2x128xi32, #tpu.memory_space<hbm>>
      %dma_start3A_59 = tpu.memref_squeeze %dma_start3A_58 : memref<1x1x2x128xi32, #tpu.memory_space<hbm>> -> memref<2x128xi32, #tpu.memory_space<hbm>>
      tpu.enqueue_dma source(%dma_start3A_59 : memref<2x128xi32, #tpu.memory_space<hbm>>) target(%arg10 : memref<2x128xi32, #tpu.memory_space<vmem>>) target_semaphore(%run_scoped3A_51 : memref<!tpu.dma_semaphore, #tpu.memory_space<semaphore_mem>>)
      %dma_wait3A_60 = arith.constant 0 : i32
      %dma_wait3A_61 = arith.constant 0 : i32
      %dma_wait3A_62 = tpu.memref_slice %arg4[%arg1, %run_scoped3A, %dma_wait3A_60, %dma_wait3A_61] : memref<16x40x2x128xi32, #tpu.memory_space<hbm>> -> memref<1x1x2x128xi32, #tpu.memory_space<hbm>>
      %dma_wait3A_63 = tpu.memref_squeeze %dma_wait3A_62 : memref<1x1x2x128xi32, #tpu.memory_space<hbm>> -> memref<2x128xi32, #tpu.memory_space<hbm>>
      %dma_wait3A_64 = arith.constant 0 : i32
      %dma_wait3A_65 = arith.constant 0 : i32
      %dma_wait3A_66 = tpu.memref_slice %arg4[%arg1, %run_scoped3A, %dma_wait3A_64, %dma_wait3A_65] : memref<16x40x2x128xi32, #tpu.memory_space<hbm>> -> memref<1x1x2x128xi32, #tpu.memory_space<hbm>>
      %dma_wait3A_67 = tpu.memref_squeeze %dma_wait3A_66 : memref<1x1x2x128xi32, #tpu.memory_space<hbm>> -> memref<2x128xi32, #tpu.memory_space<hbm>>
      tpu.wait_dma2 semaphore(%run_scoped3A_51 : memref<!tpu.dma_semaphore, #tpu.memory_space<semaphore_mem>>) src(%dma_wait3A_67 : memref<2x128xi32, #tpu.memory_space<hbm>>) dst(%arg10 : memref<2x128xi32, #tpu.memory_space<vmem>>)
      tpu.yield
    }) : () -> ()
    %eq3A = arith.constant 0 : i32
    %eq3A_0 = arith.cmpi eq, %arg0, %eq3A : i32
    %convert_element_type3A = arith.extui %eq3A_0 : i1 to i32
    %cond3A = arith.constant 0 : i32
    %cond3A_1 = arith.constant 0 : i32
    %cond3A_2 = arith.cmpi ne, %convert_element_type3A, %cond3A_1 : i32
    scf.if %cond3A_2 {
      %dma_start3A_51 = arith.constant 0 : i32
      %dma_start3A_52 = tpu.memref_slice %arg10[%cond3A, %dma_start3A_51] : memref<2x128xi32, #tpu.memory_space<vmem>> -> memref<1x128xi32, #tpu.memory_space<vmem>>
      %dma_start3A_53 = tpu.memref_squeeze %dma_start3A_52 : memref<1x128xi32, #tpu.memory_space<vmem>> -> memref<128xi32, #tpu.memory_space<vmem>>
      %dma_start3A_54 = arith.constant 0 : i32
      %dma_start3A_55 = arith.constant 0 : i32
      %dma_start3A_56 = tpu.memref_slice %arg2[%dma_start3A_54, %dma_start3A_55] : memref<10000x128xf32, #tpu.memory_space<hbm>> -> memref<10000x128xf32, #tpu.memory_space<hbm>>
      tpu.enqueue_indirect_dma source(%dma_start3A_56 : memref<10000x128xf32, #tpu.memory_space<hbm>>) target(%arg12 : memref<128x128xf32, #tpu.memory_space<vmem>>) offsets(%dma_start3A_53 : memref<128xi32, #tpu.memory_space<vmem>>) semaphore(%arg18 : memref<!tpu.dma_semaphore, #tpu.memory_space<semaphore_mem>>)
    } else {
    }
    %eq3A_3 = arith.constant 1 : i32
    %eq3A_4 = arith.cmpi eq, %arg0, %eq3A_3 : i32
    %convert_element_type3A_5 = arith.extui %eq3A_4 : i1 to i32
    %cond3A_6 = arith.constant 0 : i32
    %cond3A_7 = arith.constant 0 : i32
    %cond3A_8 = arith.cmpi ne, %convert_element_type3A_5, %cond3A_7 : i32
    scf.if %cond3A_8 {
      %dma_start3A_51 = arith.constant 0 : i32
      %dma_start3A_52 = tpu.memref_slice %arg10[%cond3A_6, %dma_start3A_51] : memref<2x128xi32, #tpu.memory_space<vmem>> -> memref<1x128xi32, #tpu.memory_space<vmem>>
      %dma_start3A_53 = tpu.memref_squeeze %dma_start3A_52 : memref<1x128xi32, #tpu.memory_space<vmem>> -> memref<128xi32, #tpu.memory_space<vmem>>
      %dma_start3A_54 = arith.constant 0 : i32
      %dma_start3A_55 = arith.constant 0 : i32
      %dma_start3A_56 = tpu.memref_slice %arg3[%dma_start3A_54, %dma_start3A_55] : memref<10000x128xf32, #tpu.memory_space<hbm>> -> memref<10000x128xf32, #tpu.memory_space<hbm>>
      tpu.enqueue_indirect_dma source(%dma_start3A_56 : memref<10000x128xf32, #tpu.memory_space<hbm>>) target(%arg12 : memref<128x128xf32, #tpu.memory_space<vmem>>) offsets(%dma_start3A_53 : memref<128xi32, #tpu.memory_space<vmem>>) semaphore(%arg18 : memref<!tpu.dma_semaphore, #tpu.memory_space<semaphore_mem>>)
    } else {
    }
    %dma_start3A = arith.constant 1 : i32
    %dma_start3A_9 = arith.constant 0 : i32
    %dma_start3A_10 = arith.constant 0 : i32
    %dma_start3A_11 = tpu.memref_slice %arg4[%arg1, %dma_start3A, %dma_start3A_9, %dma_start3A_10] : memref<16x40x2x128xi32, #tpu.memory_space<hbm>> -> memref<1x1x2x128xi32, #tpu.memory_space<hbm>>
    %dma_start3A_12 = tpu.memref_squeeze %dma_start3A_11 : memref<1x1x2x128xi32, #tpu.memory_space<hbm>> -> memref<2x128xi32, #tpu.memory_space<hbm>>
    %dma_start3A_13 = arith.constant 0 : i32
    %dma_start3A_14 = arith.constant 0 : i32
    %dma_start3A_15 = tpu.memref_slice %arg4[%arg1, %dma_start3A, %dma_start3A_13, %dma_start3A_14] : memref<16x40x2x128xi32, #tpu.memory_space<hbm>> -> memref<1x1x2x128xi32, #tpu.memory_space<hbm>>
    %dma_start3A_16 = tpu.memref_squeeze %dma_start3A_15 : memref<1x1x2x128xi32, #tpu.memory_space<hbm>> -> memref<2x128xi32, #tpu.memory_space<hbm>>
    tpu.enqueue_dma source(%dma_start3A_16 : memref<2x128xi32, #tpu.memory_space<hbm>>) target(%arg11 : memref<2x128xi32, #tpu.memory_space<vmem>>) target_semaphore(%arg17 : memref<!tpu.dma_semaphore, #tpu.memory_space<semaphore_mem>>)
    "tpu.region"() ({
      %run_scoped3A_51 = tpu.sem_alloc : memref<!tpu.dma_semaphore, #tpu.memory_space<semaphore_mem>>
      tpu.enqueue_dma source(%arg7 : memref<128x128xf32, #tpu.memory_space<hbm>>) target(%arg13 : memref<128x128xf32, #tpu.memory_space<vmem>>) target_semaphore(%run_scoped3A_51 : memref<!tpu.dma_semaphore, #tpu.memory_space<semaphore_mem>>)
      tpu.wait_dma2 semaphore(%run_scoped3A_51 : memref<!tpu.dma_semaphore, #tpu.memory_space<semaphore_mem>>) src(%arg7 : memref<128x128xf32, #tpu.memory_space<hbm>>) dst(%arg13 : memref<128x128xf32, #tpu.memory_space<vmem>>)
      tpu.yield
    }) : () -> ()
    %mul3A = arith.constant 632 : i32
    %mul3A_17 = arith.muli %arg1, %mul3A : i32
    "tpu.region"() ({
      %run_scoped3A_51 = tpu.sem_alloc : memref<!tpu.dma_semaphore, #tpu.memory_space<semaphore_mem>>
      %dma_start3A_52 = arith.constant 0 : i32
      %dma_start3A_53 = tpu.memref_slice %arg15[%mul3A_17, %dma_start3A_52] : memref<10112x128xf32, #tpu.memory_space<vmem_shared>> -> memref<632x128xf32, #tpu.memory_space<vmem_shared>>
      tpu.enqueue_dma source(%arg6 : memref<632x128xf32, #tpu.memory_space<hbm>>) target(%dma_start3A_53 : memref<632x128xf32, #tpu.memory_space<vmem_shared>>) target_semaphore(%run_scoped3A_51 : memref<!tpu.dma_semaphore, #tpu.memory_space<semaphore_mem>>)
      %dma_wait3A_54 = arith.constant 0 : i32
      %dma_wait3A_55 = tpu.memref_slice %arg15[%mul3A_17, %dma_wait3A_54] : memref<10112x128xf32, #tpu.memory_space<vmem_shared>> -> memref<632x128xf32, #tpu.memory_space<vmem_shared>>
      tpu.wait_dma2 semaphore(%run_scoped3A_51 : memref<!tpu.dma_semaphore, #tpu.memory_space<semaphore_mem>>) src(%arg6 : memref<632x128xf32, #tpu.memory_space<hbm>>) dst(%dma_wait3A_55 : memref<632x128xf32, #tpu.memory_space<vmem_shared>>)
      tpu.yield
    }) : () -> ()
    %barrier3A = arith.constant 0 : index
    tpu.barrier barrier_id(%barrier3A)
    %dma_start3A_18 = arith.constant 0 : i32
    %dma_start3A_19 = arith.constant 0 : i32
    %dma_start3A_20 = tpu.memref_slice %arg14[%dma_start3A_18, %dma_start3A_19] : memref<80x128xi32, #tpu.memory_space<vmem>> -> memref<1x128xi32, #tpu.memory_space<vmem>>
    %dma_start3A_21 = tpu.memref_squeeze %dma_start3A_20 : memref<1x128xi32, #tpu.memory_space<vmem>> -> memref<128xi32, #tpu.memory_space<vmem>>
    %dma_start3A_22 = arith.constant 0 : i32
    %dma_start3A_23 = arith.constant 0 : i32
    %dma_start3A_24 = tpu.memref_slice %arg15[%dma_start3A_22, %dma_start3A_23] : memref<10112x128xf32, #tpu.memory_space<vmem_shared>> -> memref<10112x128xf32, #tpu.memory_space<vmem_shared>>
    tpu.enqueue_indirect_dma source(%arg13 : memref<128x128xf32, #tpu.memory_space<vmem>>) target(%dma_start3A_24 : memref<10112x128xf32, #tpu.memory_space<vmem_shared>>) offsets(%dma_start3A_21 : memref<128xi32, #tpu.memory_space<vmem>>) semaphore(%arg21 : memref<!tpu.dma_semaphore, #tpu.memory_space<semaphore_mem>>) {add = true}
    %scan3A = arith.constant 0 : i32
    %scan3A_25 = arith.constant 0 : i32
    %scan3A_26 = arith.constant 20 : i32
    %scan3A_27 = arith.addi %scan3A_25, %scan3A_26 : i32
    %scan3A_28 = arith.constant 1 : i32
    scf.for %scan3A_51 = %scan3A_25 to %scan3A_27 step %scan3A_28  : i32 {
      %mul3A_52 = arith.constant 4 : i32
      %mul3A_53 = arith.muli %mul3A_52, %scan3A_51 : i32
      tpu.wait_dma2 semaphore(%arg18 : memref<!tpu.dma_semaphore, #tpu.memory_space<semaphore_mem>>) src(%arg7 : memref<128x128xf32, #tpu.memory_space<hbm>>) dst(%arg12 : memref<128x128xf32, #tpu.memory_space<vmem>>)
      %dma_start3A_54 = arith.constant 0 : i32
      %dma_start3A_55 = tpu.memref_slice %arg14[%mul3A_53, %dma_start3A_54] : memref<80x128xi32, #tpu.memory_space<vmem>> -> memref<1x128xi32, #tpu.memory_space<vmem>>
      %dma_start3A_56 = tpu.memref_squeeze %dma_start3A_55 : memref<1x128xi32, #tpu.memory_space<vmem>> -> memref<128xi32, #tpu.memory_space<vmem>>
      %dma_start3A_57 = arith.constant 0 : i32
      %dma_start3A_58 = arith.constant 0 : i32
      %dma_start3A_59 = tpu.memref_slice %arg15[%dma_start3A_57, %dma_start3A_58] : memref<10112x128xf32, #tpu.memory_space<vmem_shared>> -> memref<10112x128xf32, #tpu.memory_space<vmem_shared>>
      tpu.enqueue_indirect_dma source(%arg12 : memref<128x128xf32, #tpu.memory_space<vmem>>) target(%dma_start3A_59 : memref<10112x128xf32, #tpu.memory_space<vmem_shared>>) offsets(%dma_start3A_56 : memref<128xi32, #tpu.memory_space<vmem>>) semaphore(%arg20 : memref<!tpu.dma_semaphore, #tpu.memory_space<semaphore_mem>>) {add = true}
      tpu.wait_dma2 semaphore(%arg21 : memref<!tpu.dma_semaphore, #tpu.memory_space<semaphore_mem>>) src(%arg7 : memref<128x128xf32, #tpu.memory_space<hbm>>) dst(%arg13 : memref<128x128xf32, #tpu.memory_space<vmem>>)
      %eq3A_60 = arith.constant 0 : i32
      %eq3A_61 = arith.cmpi eq, %arg0, %eq3A_60 : i32
      %convert_element_type3A_62 = arith.extui %eq3A_61 : i1 to i32
      %cond3A_63 = arith.constant 1 : i32
      %cond3A_64 = arith.constant 0 : i32
      %cond3A_65 = arith.cmpi ne, %convert_element_type3A_62, %cond3A_64 : i32
      scf.if %cond3A_65 {
        %dma_start3A_240 = arith.constant 0 : i32
        %dma_start3A_241 = tpu.memref_slice %arg10[%cond3A_63, %dma_start3A_240] : memref<2x128xi32, #tpu.memory_space<vmem>> -> memref<1x128xi32, #tpu.memory_space<vmem>>
        %dma_start3A_242 = tpu.memref_squeeze %dma_start3A_241 : memref<1x128xi32, #tpu.memory_space<vmem>> -> memref<128xi32, #tpu.memory_space<vmem>>
        %dma_start3A_243 = arith.constant 0 : i32
        %dma_start3A_244 = arith.constant 0 : i32
        %dma_start3A_245 = tpu.memref_slice %arg2[%dma_start3A_243, %dma_start3A_244] : memref<10000x128xf32, #tpu.memory_space<hbm>> -> memref<10000x128xf32, #tpu.memory_space<hbm>>
        tpu.enqueue_indirect_dma source(%dma_start3A_245 : memref<10000x128xf32, #tpu.memory_space<hbm>>) target(%arg13 : memref<128x128xf32, #tpu.memory_space<vmem>>) offsets(%dma_start3A_242 : memref<128xi32, #tpu.memory_space<vmem>>) semaphore(%arg19 : memref<!tpu.dma_semaphore, #tpu.memory_space<semaphore_mem>>)
      } else {
      }
      %eq3A_66 = arith.constant 1 : i32
      %eq3A_67 = arith.cmpi eq, %arg0, %eq3A_66 : i32
      %convert_element_type3A_68 = arith.extui %eq3A_67 : i1 to i32
      %cond3A_69 = arith.constant 1 : i32
      %cond3A_70 = arith.constant 0 : i32
      %cond3A_71 = arith.cmpi ne, %convert_element_type3A_68, %cond3A_70 : i32
      scf.if %cond3A_71 {
        %dma_start3A_240 = arith.constant 0 : i32
        %dma_start3A_241 = tpu.memref_slice %arg10[%cond3A_69, %dma_start3A_240] : memref<2x128xi32, #tpu.memory_space<vmem>> -> memref<1x128xi32, #tpu.memory_space<vmem>>
        %dma_start3A_242 = tpu.memref_squeeze %dma_start3A_241 : memref<1x128xi32, #tpu.memory_space<vmem>> -> memref<128xi32, #tpu.memory_space<vmem>>
        %dma_start3A_243 = arith.constant 0 : i32
        %dma_start3A_244 = arith.constant 0 : i32
        %dma_start3A_245 = tpu.memref_slice %arg3[%dma_start3A_243, %dma_start3A_244] : memref<10000x128xf32, #tpu.memory_space<hbm>> -> memref<10000x128xf32, #tpu.memory_space<hbm>>
        tpu.enqueue_indirect_dma source(%dma_start3A_245 : memref<10000x128xf32, #tpu.memory_space<hbm>>) target(%arg13 : memref<128x128xf32, #tpu.memory_space<vmem>>) offsets(%dma_start3A_242 : memref<128xi32, #tpu.memory_space<vmem>>) semaphore(%arg19 : memref<!tpu.dma_semaphore, #tpu.memory_space<semaphore_mem>>)
      } else {
      }
      tpu.wait_dma2 semaphore(%arg19 : memref<!tpu.dma_semaphore, #tpu.memory_space<semaphore_mem>>) src(%arg7 : memref<128x128xf32, #tpu.memory_space<hbm>>) dst(%arg13 : memref<128x128xf32, #tpu.memory_space<vmem>>)
      %add3A = arith.constant 1 : i32
      %add3A_72 = arith.addi %mul3A_53, %add3A : i32
      %dma_start3A_73 = arith.constant 0 : i32
      %dma_start3A_74 = tpu.memref_slice %arg14[%add3A_72, %dma_start3A_73] : memref<80x128xi32, #tpu.memory_space<vmem>> -> memref<1x128xi32, #tpu.memory_space<vmem>>
      %dma_start3A_75 = tpu.memref_squeeze %dma_start3A_74 : memref<1x128xi32, #tpu.memory_space<vmem>> -> memref<128xi32, #tpu.memory_space<vmem>>
      %dma_start3A_76 = arith.constant 0 : i32
      %dma_start3A_77 = arith.constant 0 : i32
      %dma_start3A_78 = tpu.memref_slice %arg15[%dma_start3A_76, %dma_start3A_77] : memref<10112x128xf32, #tpu.memory_space<vmem_shared>> -> memref<10112x128xf32, #tpu.memory_space<vmem_shared>>
      tpu.enqueue_indirect_dma source(%arg13 : memref<128x128xf32, #tpu.memory_space<vmem>>) target(%dma_start3A_78 : memref<10112x128xf32, #tpu.memory_space<vmem_shared>>) offsets(%dma_start3A_75 : memref<128xi32, #tpu.memory_space<vmem>>) semaphore(%arg21 : memref<!tpu.dma_semaphore, #tpu.memory_space<semaphore_mem>>) {add = true}
      %dma_wait3A_79 = arith.constant 0 : i32
      %dma_wait3A_80 = arith.constant 0 : i32
      %dma_wait3A_81 = arith.constant 0 : i32
      %dma_wait3A_82 = tpu.memref_slice %arg4[%arg1, %dma_wait3A_79, %dma_wait3A_80, %dma_wait3A_81] : memref<16x40x2x128xi32, #tpu.memory_space<hbm>> -> memref<1x1x2x128xi32, #tpu.memory_space<hbm>>
      %dma_wait3A_83 = tpu.memref_squeeze %dma_wait3A_82 : memref<1x1x2x128xi32, #tpu.memory_space<hbm>> -> memref<2x128xi32, #tpu.memory_space<hbm>>
      %dma_wait3A_84 = arith.constant 0 : i32
      %dma_wait3A_85 = arith.constant 0 : i32
      %dma_wait3A_86 = tpu.memref_slice %arg4[%arg1, %dma_wait3A_79, %dma_wait3A_84, %dma_wait3A_85] : memref<16x40x2x128xi32, #tpu.memory_space<hbm>> -> memref<1x1x2x128xi32, #tpu.memory_space<hbm>>
      %dma_wait3A_87 = tpu.memref_squeeze %dma_wait3A_86 : memref<1x1x2x128xi32, #tpu.memory_space<hbm>> -> memref<2x128xi32, #tpu.memory_space<hbm>>
      tpu.wait_dma2 semaphore(%arg17 : memref<!tpu.dma_semaphore, #tpu.memory_space<semaphore_mem>>) src(%dma_wait3A_87 : memref<2x128xi32, #tpu.memory_space<hbm>>) dst(%arg11 : memref<2x128xi32, #tpu.memory_space<vmem>>)
      tpu.wait_dma2 semaphore(%arg20 : memref<!tpu.dma_semaphore, #tpu.memory_space<semaphore_mem>>) src(%arg7 : memref<128x128xf32, #tpu.memory_space<hbm>>) dst(%arg12 : memref<128x128xf32, #tpu.memory_space<vmem>>)
      %eq3A_88 = arith.constant 0 : i32
      %eq3A_89 = arith.cmpi eq, %arg0, %eq3A_88 : i32
      %convert_element_type3A_90 = arith.extui %eq3A_89 : i1 to i32
      %cond3A_91 = arith.constant 0 : i32
      %cond3A_92 = arith.constant 0 : i32
      %cond3A_93 = arith.cmpi ne, %convert_element_type3A_90, %cond3A_92 : i32
      scf.if %cond3A_93 {
        %dma_start3A_240 = arith.constant 0 : i32
        %dma_start3A_241 = tpu.memref_slice %arg11[%cond3A_91, %dma_start3A_240] : memref<2x128xi32, #tpu.memory_space<vmem>> -> memref<1x128xi32, #tpu.memory_space<vmem>>
        %dma_start3A_242 = tpu.memref_squeeze %dma_start3A_241 : memref<1x128xi32, #tpu.memory_space<vmem>> -> memref<128xi32, #tpu.memory_space<vmem>>
        %dma_start3A_243 = arith.constant 0 : i32
        %dma_start3A_244 = arith.constant 0 : i32
        %dma_start3A_245 = tpu.memref_slice %arg2[%dma_start3A_243, %dma_start3A_244] : memref<10000x128xf32, #tpu.memory_space<hbm>> -> memref<10000x128xf32, #tpu.memory_space<hbm>>
        tpu.enqueue_indirect_dma source(%dma_start3A_245 : memref<10000x128xf32, #tpu.memory_space<hbm>>) target(%arg12 : memref<128x128xf32, #tpu.memory_space<vmem>>) offsets(%dma_start3A_242 : memref<128xi32, #tpu.memory_space<vmem>>) semaphore(%arg18 : memref<!tpu.dma_semaphore, #tpu.memory_space<semaphore_mem>>)
      } else {
      }
      %eq3A_94 = arith.constant 1 : i32
      %eq3A_95 = arith.cmpi eq, %arg0, %eq3A_94 : i32
      %convert_element_type3A_96 = arith.extui %eq3A_95 : i1 to i32
      %cond3A_97 = arith.constant 0 : i32
      %cond3A_98 = arith.constant 0 : i32
      %cond3A_99 = arith.cmpi ne, %convert_element_type3A_96, %cond3A_98 : i32
      scf.if %cond3A_99 {
        %dma_start3A_240 = arith.constant 0 : i32
        %dma_start3A_241 = tpu.memref_slice %arg11[%cond3A_97, %dma_start3A_240] : memref<2x128xi32, #tpu.memory_space<vmem>> -> memref<1x128xi32, #tpu.memory_space<vmem>>
        %dma_start3A_242 = tpu.memref_squeeze %dma_start3A_241 : memref<1x128xi32, #tpu.memory_space<vmem>> -> memref<128xi32, #tpu.memory_space<vmem>>
        %dma_start3A_243 = arith.constant 0 : i32
        %dma_start3A_244 = arith.constant 0 : i32
        %dma_start3A_245 = tpu.memref_slice %arg3[%dma_start3A_243, %dma_start3A_244] : memref<10000x128xf32, #tpu.memory_space<hbm>> -> memref<10000x128xf32, #tpu.memory_space<hbm>>
        tpu.enqueue_indirect_dma source(%dma_start3A_245 : memref<10000x128xf32, #tpu.memory_space<hbm>>) target(%arg12 : memref<128x128xf32, #tpu.memory_space<vmem>>) offsets(%dma_start3A_242 : memref<128xi32, #tpu.memory_space<vmem>>) semaphore(%arg18 : memref<!tpu.dma_semaphore, #tpu.memory_space<semaphore_mem>>)
      } else {
      }
      %add3A_100 = arith.constant 4 : i32
      %add3A_101 = arith.addi %mul3A_53, %add3A_100 : i32
      %jit3A = arith.constant 2 : i32
      %div3A = arith.divsi %add3A_101, %jit3A : i32
      %sign3A = arith.constant 0 : i32
      %sign3A_102 = arith.cmpi sgt, %add3A_101, %sign3A : i32
      %sign3A_103 = arith.extui %sign3A_102 : i1 to i32
      %sign3A_104 = arith.constant 0 : i32
      %sign3A_105 = arith.cmpi slt, %add3A_101, %sign3A_104 : i32
      %sign3A_106 = arith.extui %sign3A_105 : i1 to i32
      %sign3A_107 = arith.subi %sign3A_103, %sign3A_106 : i32
      %sign3A_108 = arith.constant 0 : i32
      %sign3A_109 = arith.cmpi sgt, %jit3A, %sign3A_108 : i32
      %sign3A_110 = arith.extui %sign3A_109 : i1 to i32
      %sign3A_111 = arith.constant 0 : i32
      %sign3A_112 = arith.cmpi slt, %jit3A, %sign3A_111 : i32
      %sign3A_113 = arith.extui %sign3A_112 : i1 to i32
      %sign3A_114 = arith.subi %sign3A_110, %sign3A_113 : i32
      %ne3A = arith.cmpi ne, %sign3A_107, %sign3A_114 : i32
      %rem3A = arith.remsi %add3A_101, %jit3A : i32
      %ne3A_115 = arith.constant 0 : i32
      %ne3A_116 = arith.cmpi ne, %rem3A, %ne3A_115 : i32
      %and3A = arith.andi %ne3A, %ne3A_116 : i1
      %sub3A = arith.constant 1 : i32
      %sub3A_117 = arith.subi %div3A, %sub3A : i32
      %select_n3A = arith.select %and3A, %sub3A_117, %div3A : i32
      %jit3A_118 = arith.constant 40 : i32
      %eq3A_119 = arith.constant 0 : i32
      %eq3A_120 = arith.cmpi eq, %jit3A_118, %eq3A_119 : i32
      %jit3A_121 = arith.constant 1 : i32
      %select_n3A_122 = arith.select %eq3A_120, %jit3A_121, %jit3A_118 : i32
      %rem3A_123 = arith.remsi %select_n3A, %select_n3A_122 : i32
      %ne3A_124 = arith.constant 0 : i32
      %ne3A_125 = arith.cmpi ne, %rem3A_123, %ne3A_124 : i32
      %lt3A = arith.constant 0 : i32
      %lt3A_126 = arith.cmpi slt, %rem3A_123, %lt3A : i32
      %lt3A_127 = arith.constant 0 : i32
      %lt3A_128 = arith.cmpi slt, %select_n3A_122, %lt3A_127 : i32
      %ne3A_129 = arith.xori %lt3A_126, %lt3A_128 : i1
      %and3A_130 = arith.andi %ne3A_129, %ne3A_125 : i1
      %add3A_131 = arith.addi %rem3A_123, %select_n3A_122 : i32
      %select_n3A_132 = arith.select %and3A_130, %add3A_131, %rem3A_123 : i32
      %dma_start3A_133 = arith.constant 0 : i32
      %dma_start3A_134 = arith.constant 0 : i32
      %dma_start3A_135 = tpu.memref_slice %arg4[%arg1, %select_n3A_132, %dma_start3A_133, %dma_start3A_134] : memref<16x40x2x128xi32, #tpu.memory_space<hbm>> -> memref<1x1x2x128xi32, #tpu.memory_space<hbm>>
      %dma_start3A_136 = tpu.memref_squeeze %dma_start3A_135 : memref<1x1x2x128xi32, #tpu.memory_space<hbm>> -> memref<2x128xi32, #tpu.memory_space<hbm>>
      %dma_start3A_137 = arith.constant 0 : i32
      %dma_start3A_138 = arith.constant 0 : i32
      %dma_start3A_139 = tpu.memref_slice %arg4[%arg1, %select_n3A_132, %dma_start3A_137, %dma_start3A_138] : memref<16x40x2x128xi32, #tpu.memory_space<hbm>> -> memref<1x1x2x128xi32, #tpu.memory_space<hbm>>
      %dma_start3A_140 = tpu.memref_squeeze %dma_start3A_139 : memref<1x1x2x128xi32, #tpu.memory_space<hbm>> -> memref<2x128xi32, #tpu.memory_space<hbm>>
      tpu.enqueue_dma source(%dma_start3A_140 : memref<2x128xi32, #tpu.memory_space<hbm>>) target(%arg10 : memref<2x128xi32, #tpu.memory_space<vmem>>) target_semaphore(%arg16 : memref<!tpu.dma_semaphore, #tpu.memory_space<semaphore_mem>>)
      %add3A_141 = arith.constant 2 : i32
      %add3A_142 = arith.addi %mul3A_53, %add3A_141 : i32
      tpu.wait_dma2 semaphore(%arg18 : memref<!tpu.dma_semaphore, #tpu.memory_space<semaphore_mem>>) src(%arg7 : memref<128x128xf32, #tpu.memory_space<hbm>>) dst(%arg12 : memref<128x128xf32, #tpu.memory_space<vmem>>)
      %dma_start3A_143 = arith.constant 0 : i32
      %dma_start3A_144 = tpu.memref_slice %arg14[%add3A_142, %dma_start3A_143] : memref<80x128xi32, #tpu.memory_space<vmem>> -> memref<1x128xi32, #tpu.memory_space<vmem>>
      %dma_start3A_145 = tpu.memref_squeeze %dma_start3A_144 : memref<1x128xi32, #tpu.memory_space<vmem>> -> memref<128xi32, #tpu.memory_space<vmem>>
      %dma_start3A_146 = arith.constant 0 : i32
      %dma_start3A_147 = arith.constant 0 : i32
      %dma_start3A_148 = tpu.memref_slice %arg15[%dma_start3A_146, %dma_start3A_147] : memref<10112x128xf32, #tpu.memory_space<vmem_shared>> -> memref<10112x128xf32, #tpu.memory_space<vmem_shared>>
      tpu.enqueue_indirect_dma source(%arg12 : memref<128x128xf32, #tpu.memory_space<vmem>>) target(%dma_start3A_148 : memref<10112x128xf32, #tpu.memory_space<vmem_shared>>) offsets(%dma_start3A_145 : memref<128xi32, #tpu.memory_space<vmem>>) semaphore(%arg20 : memref<!tpu.dma_semaphore, #tpu.memory_space<semaphore_mem>>) {add = true}
      tpu.wait_dma2 semaphore(%arg21 : memref<!tpu.dma_semaphore, #tpu.memory_space<semaphore_mem>>) src(%arg7 : memref<128x128xf32, #tpu.memory_space<hbm>>) dst(%arg13 : memref<128x128xf32, #tpu.memory_space<vmem>>)
      %eq3A_149 = arith.constant 0 : i32
      %eq3A_150 = arith.cmpi eq, %arg0, %eq3A_149 : i32
      %convert_element_type3A_151 = arith.extui %eq3A_150 : i1 to i32
      %cond3A_152 = arith.constant 1 : i32
      %cond3A_153 = arith.constant 0 : i32
      %cond3A_154 = arith.cmpi ne, %convert_element_type3A_151, %cond3A_153 : i32
      scf.if %cond3A_154 {
        %dma_start3A_240 = arith.constant 0 : i32
        %dma_start3A_241 = tpu.memref_slice %arg11[%cond3A_152, %dma_start3A_240] : memref<2x128xi32, #tpu.memory_space<vmem>> -> memref<1x128xi32, #tpu.memory_space<vmem>>
        %dma_start3A_242 = tpu.memref_squeeze %dma_start3A_241 : memref<1x128xi32, #tpu.memory_space<vmem>> -> memref<128xi32, #tpu.memory_space<vmem>>
        %dma_start3A_243 = arith.constant 0 : i32
        %dma_start3A_244 = arith.constant 0 : i32
        %dma_start3A_245 = tpu.memref_slice %arg2[%dma_start3A_243, %dma_start3A_244] : memref<10000x128xf32, #tpu.memory_space<hbm>> -> memref<10000x128xf32, #tpu.memory_space<hbm>>
        tpu.enqueue_indirect_dma source(%dma_start3A_245 : memref<10000x128xf32, #tpu.memory_space<hbm>>) target(%arg13 : memref<128x128xf32, #tpu.memory_space<vmem>>) offsets(%dma_start3A_242 : memref<128xi32, #tpu.memory_space<vmem>>) semaphore(%arg19 : memref<!tpu.dma_semaphore, #tpu.memory_space<semaphore_mem>>)
      } else {
      }
      %eq3A_155 = arith.constant 1 : i32
      %eq3A_156 = arith.cmpi eq, %arg0, %eq3A_155 : i32
      %convert_element_type3A_157 = arith.extui %eq3A_156 : i1 to i32
      %cond3A_158 = arith.constant 1 : i32
      %cond3A_159 = arith.constant 0 : i32
      %cond3A_160 = arith.cmpi ne, %convert_element_type3A_157, %cond3A_159 : i32
      scf.if %cond3A_160 {
        %dma_start3A_240 = arith.constant 0 : i32
        %dma_start3A_241 = tpu.memref_slice %arg11[%cond3A_158, %dma_start3A_240] : memref<2x128xi32, #tpu.memory_space<vmem>> -> memref<1x128xi32, #tpu.memory_space<vmem>>
        %dma_start3A_242 = tpu.memref_squeeze %dma_start3A_241 : memref<1x128xi32, #tpu.memory_space<vmem>> -> memref<128xi32, #tpu.memory_space<vmem>>
        %dma_start3A_243 = arith.constant 0 : i32
        %dma_start3A_244 = arith.constant 0 : i32
        %dma_start3A_245 = tpu.memref_slice %arg3[%dma_start3A_243, %dma_start3A_244] : memref<10000x128xf32, #tpu.memory_space<hbm>> -> memref<10000x128xf32, #tpu.memory_space<hbm>>
        tpu.enqueue_indirect_dma source(%dma_start3A_245 : memref<10000x128xf32, #tpu.memory_space<hbm>>) target(%arg13 : memref<128x128xf32, #tpu.memory_space<vmem>>) offsets(%dma_start3A_242 : memref<128xi32, #tpu.memory_space<vmem>>) semaphore(%arg19 : memref<!tpu.dma_semaphore, #tpu.memory_space<semaphore_mem>>)
      } else {
      }
      tpu.wait_dma2 semaphore(%arg19 : memref<!tpu.dma_semaphore, #tpu.memory_space<semaphore_mem>>) src(%arg7 : memref<128x128xf32, #tpu.memory_space<hbm>>) dst(%arg13 : memref<128x128xf32, #tpu.memory_space<vmem>>)
      %add3A_161 = arith.constant 1 : i32
      %add3A_162 = arith.addi %add3A_142, %add3A_161 : i32
      %dma_start3A_163 = arith.constant 0 : i32
      %dma_start3A_164 = tpu.memref_slice %arg14[%add3A_162, %dma_start3A_163] : memref<80x128xi32, #tpu.memory_space<vmem>> -> memref<1x128xi32, #tpu.memory_space<vmem>>
      %dma_start3A_165 = tpu.memref_squeeze %dma_start3A_164 : memref<1x128xi32, #tpu.memory_space<vmem>> -> memref<128xi32, #tpu.memory_space<vmem>>
      %dma_start3A_166 = arith.constant 0 : i32
      %dma_start3A_167 = arith.constant 0 : i32
      %dma_start3A_168 = tpu.memref_slice %arg15[%dma_start3A_166, %dma_start3A_167] : memref<10112x128xf32, #tpu.memory_space<vmem_shared>> -> memref<10112x128xf32, #tpu.memory_space<vmem_shared>>
      tpu.enqueue_indirect_dma source(%arg13 : memref<128x128xf32, #tpu.memory_space<vmem>>) target(%dma_start3A_168 : memref<10112x128xf32, #tpu.memory_space<vmem_shared>>) offsets(%dma_start3A_165 : memref<128xi32, #tpu.memory_space<vmem>>) semaphore(%arg21 : memref<!tpu.dma_semaphore, #tpu.memory_space<semaphore_mem>>) {add = true}
      %dma_wait3A_169 = arith.constant 0 : i32
      %dma_wait3A_170 = arith.constant 0 : i32
      %dma_wait3A_171 = arith.constant 0 : i32
      %dma_wait3A_172 = tpu.memref_slice %arg4[%arg1, %dma_wait3A_169, %dma_wait3A_170, %dma_wait3A_171] : memref<16x40x2x128xi32, #tpu.memory_space<hbm>> -> memref<1x1x2x128xi32, #tpu.memory_space<hbm>>
      %dma_wait3A_173 = tpu.memref_squeeze %dma_wait3A_172 : memref<1x1x2x128xi32, #tpu.memory_space<hbm>> -> memref<2x128xi32, #tpu.memory_space<hbm>>
      %dma_wait3A_174 = arith.constant 0 : i32
      %dma_wait3A_175 = arith.constant 0 : i32
      %dma_wait3A_176 = tpu.memref_slice %arg4[%arg1, %dma_wait3A_169, %dma_wait3A_174, %dma_wait3A_175] : memref<16x40x2x128xi32, #tpu.memory_space<hbm>> -> memref<1x1x2x128xi32, #tpu.memory_space<hbm>>
      %dma_wait3A_177 = tpu.memref_squeeze %dma_wait3A_176 : memref<1x1x2x128xi32, #tpu.memory_space<hbm>> -> memref<2x128xi32, #tpu.memory_space<hbm>>
      tpu.wait_dma2 semaphore(%arg16 : memref<!tpu.dma_semaphore, #tpu.memory_space<semaphore_mem>>) src(%dma_wait3A_177 : memref<2x128xi32, #tpu.memory_space<hbm>>) dst(%arg10 : memref<2x128xi32, #tpu.memory_space<vmem>>)
      tpu.wait_dma2 semaphore(%arg20 : memref<!tpu.dma_semaphore, #tpu.memory_space<semaphore_mem>>) src(%arg7 : memref<128x128xf32, #tpu.memory_space<hbm>>) dst(%arg12 : memref<128x128xf32, #tpu.memory_space<vmem>>)
      %eq3A_178 = arith.constant 0 : i32
      %eq3A_179 = arith.cmpi eq, %arg0, %eq3A_178 : i32
      %convert_element_type3A_180 = arith.extui %eq3A_179 : i1 to i32
      %cond3A_181 = arith.constant 0 : i32
      %cond3A_182 = arith.constant 0 : i32
      %cond3A_183 = arith.cmpi ne, %convert_element_type3A_180, %cond3A_182 : i32
      scf.if %cond3A_183 {
        %dma_start3A_240 = arith.constant 0 : i32
        %dma_start3A_241 = tpu.memref_slice %arg10[%cond3A_181, %dma_start3A_240] : memref<2x128xi32, #tpu.memory_space<vmem>> -> memref<1x128xi32, #tpu.memory_space<vmem>>
        %dma_start3A_242 = tpu.memref_squeeze %dma_start3A_241 : memref<1x128xi32, #tpu.memory_space<vmem>> -> memref<128xi32, #tpu.memory_space<vmem>>
        %dma_start3A_243 = arith.constant 0 : i32
        %dma_start3A_244 = arith.constant 0 : i32
        %dma_start3A_245 = tpu.memref_slice %arg2[%dma_start3A_243, %dma_start3A_244] : memref<10000x128xf32, #tpu.memory_space<hbm>> -> memref<10000x128xf32, #tpu.memory_space<hbm>>
        tpu.enqueue_indirect_dma source(%dma_start3A_245 : memref<10000x128xf32, #tpu.memory_space<hbm>>) target(%arg12 : memref<128x128xf32, #tpu.memory_space<vmem>>) offsets(%dma_start3A_242 : memref<128xi32, #tpu.memory_space<vmem>>) semaphore(%arg18 : memref<!tpu.dma_semaphore, #tpu.memory_space<semaphore_mem>>)
      } else {
      }
      %eq3A_184 = arith.constant 1 : i32
      %eq3A_185 = arith.cmpi eq, %arg0, %eq3A_184 : i32
      %convert_element_type3A_186 = arith.extui %eq3A_185 : i1 to i32
      %cond3A_187 = arith.constant 0 : i32
      %cond3A_188 = arith.constant 0 : i32
      %cond3A_189 = arith.cmpi ne, %convert_element_type3A_186, %cond3A_188 : i32
      scf.if %cond3A_189 {
        %dma_start3A_240 = arith.constant 0 : i32
        %dma_start3A_241 = tpu.memref_slice %arg10[%cond3A_187, %dma_start3A_240] : memref<2x128xi32, #tpu.memory_space<vmem>> -> memref<1x128xi32, #tpu.memory_space<vmem>>
        %dma_start3A_242 = tpu.memref_squeeze %dma_start3A_241 : memref<1x128xi32, #tpu.memory_space<vmem>> -> memref<128xi32, #tpu.memory_space<vmem>>
        %dma_start3A_243 = arith.constant 0 : i32
        %dma_start3A_244 = arith.constant 0 : i32
        %dma_start3A_245 = tpu.memref_slice %arg3[%dma_start3A_243, %dma_start3A_244] : memref<10000x128xf32, #tpu.memory_space<hbm>> -> memref<10000x128xf32, #tpu.memory_space<hbm>>
        tpu.enqueue_indirect_dma source(%dma_start3A_245 : memref<10000x128xf32, #tpu.memory_space<hbm>>) target(%arg12 : memref<128x128xf32, #tpu.memory_space<vmem>>) offsets(%dma_start3A_242 : memref<128xi32, #tpu.memory_space<vmem>>) semaphore(%arg18 : memref<!tpu.dma_semaphore, #tpu.memory_space<semaphore_mem>>)
      } else {
      }
      %add3A_190 = arith.constant 4 : i32
      %add3A_191 = arith.addi %add3A_142, %add3A_190 : i32
      %jit3A_192 = arith.constant 2 : i32
      %div3A_193 = arith.divsi %add3A_191, %jit3A_192 : i32
      %sign3A_194 = arith.constant 0 : i32
      %sign3A_195 = arith.cmpi sgt, %add3A_191, %sign3A_194 : i32
      %sign3A_196 = arith.extui %sign3A_195 : i1 to i32
      %sign3A_197 = arith.constant 0 : i32
      %sign3A_198 = arith.cmpi slt, %add3A_191, %sign3A_197 : i32
      %sign3A_199 = arith.extui %sign3A_198 : i1 to i32
      %sign3A_200 = arith.subi %sign3A_196, %sign3A_199 : i32
      %sign3A_201 = arith.constant 0 : i32
      %sign3A_202 = arith.cmpi sgt, %jit3A_192, %sign3A_201 : i32
      %sign3A_203 = arith.extui %sign3A_202 : i1 to i32
      %sign3A_204 = arith.constant 0 : i32
      %sign3A_205 = arith.cmpi slt, %jit3A_192, %sign3A_204 : i32
      %sign3A_206 = arith.extui %sign3A_205 : i1 to i32
      %sign3A_207 = arith.subi %sign3A_203, %sign3A_206 : i32
      %ne3A_208 = arith.cmpi ne, %sign3A_200, %sign3A_207 : i32
      %rem3A_209 = arith.remsi %add3A_191, %jit3A_192 : i32
      %ne3A_210 = arith.constant 0 : i32
      %ne3A_211 = arith.cmpi ne, %rem3A_209, %ne3A_210 : i32
      %and3A_212 = arith.andi %ne3A_208, %ne3A_211 : i1
      %sub3A_213 = arith.constant 1 : i32
      %sub3A_214 = arith.subi %div3A_193, %sub3A_213 : i32
      %select_n3A_215 = arith.select %and3A_212, %sub3A_214, %div3A_193 : i32
      %jit3A_216 = arith.constant 40 : i32
      %eq3A_217 = arith.constant 0 : i32
      %eq3A_218 = arith.cmpi eq, %jit3A_216, %eq3A_217 : i32
      %jit3A_219 = arith.constant 1 : i32
      %select_n3A_220 = arith.select %eq3A_218, %jit3A_219, %jit3A_216 : i32
      %rem3A_221 = arith.remsi %select_n3A_215, %select_n3A_220 : i32
      %ne3A_222 = arith.constant 0 : i32
      %ne3A_223 = arith.cmpi ne, %rem3A_221, %ne3A_222 : i32
      %lt3A_224 = arith.constant 0 : i32
      %lt3A_225 = arith.cmpi slt, %rem3A_221, %lt3A_224 : i32
      %lt3A_226 = arith.constant 0 : i32
      %lt3A_227 = arith.cmpi slt, %select_n3A_220, %lt3A_226 : i32
      %ne3A_228 = arith.xori %lt3A_225, %lt3A_227 : i1
      %and3A_229 = arith.andi %ne3A_228, %ne3A_223 : i1
      %add3A_230 = arith.addi %rem3A_221, %select_n3A_220 : i32
      %select_n3A_231 = arith.select %and3A_229, %add3A_230, %rem3A_221 : i32
      %dma_start3A_232 = arith.constant 0 : i32
      %dma_start3A_233 = arith.constant 0 : i32
      %dma_start3A_234 = tpu.memref_slice %arg4[%arg1, %select_n3A_231, %dma_start3A_232, %dma_start3A_233] : memref<16x40x2x128xi32, #tpu.memory_space<hbm>> -> memref<1x1x2x128xi32, #tpu.memory_space<hbm>>
      %dma_start3A_235 = tpu.memref_squeeze %dma_start3A_234 : memref<1x1x2x128xi32, #tpu.memory_space<hbm>> -> memref<2x128xi32, #tpu.memory_space<hbm>>
      %dma_start3A_236 = arith.constant 0 : i32
      %dma_start3A_237 = arith.constant 0 : i32
      %dma_start3A_238 = tpu.memref_slice %arg4[%arg1, %select_n3A_231, %dma_start3A_236, %dma_start3A_237] : memref<16x40x2x128xi32, #tpu.memory_space<hbm>> -> memref<1x1x2x128xi32, #tpu.memory_space<hbm>>
      %dma_start3A_239 = tpu.memref_squeeze %dma_start3A_238 : memref<1x1x2x128xi32, #tpu.memory_space<hbm>> -> memref<2x128xi32, #tpu.memory_space<hbm>>
      tpu.enqueue_dma source(%dma_start3A_239 : memref<2x128xi32, #tpu.memory_space<hbm>>) target(%arg11 : memref<2x128xi32, #tpu.memory_space<vmem>>) target_semaphore(%arg17 : memref<!tpu.dma_semaphore, #tpu.memory_space<semaphore_mem>>)
    }
    %scan3A_29 = arith.constant 20 : i32
    tpu.wait_dma2 semaphore(%arg21 : memref<!tpu.dma_semaphore, #tpu.memory_space<semaphore_mem>>) src(%arg7 : memref<128x128xf32, #tpu.memory_space<hbm>>) dst(%arg13 : memref<128x128xf32, #tpu.memory_space<vmem>>)
    tpu.wait_dma2 semaphore(%arg18 : memref<!tpu.dma_semaphore, #tpu.memory_space<semaphore_mem>>) src(%arg7 : memref<128x128xf32, #tpu.memory_space<hbm>>) dst(%arg12 : memref<128x128xf32, #tpu.memory_space<vmem>>)
    %dma_wait3A = arith.constant 0 : i32
    %dma_wait3A_30 = arith.constant 0 : i32
    %dma_wait3A_31 = arith.constant 0 : i32
    %dma_wait3A_32 = tpu.memref_slice %arg4[%arg1, %dma_wait3A, %dma_wait3A_30, %dma_wait3A_31] : memref<16x40x2x128xi32, #tpu.memory_space<hbm>> -> memref<1x1x2x128xi32, #tpu.memory_space<hbm>>
    %dma_wait3A_33 = tpu.memref_squeeze %dma_wait3A_32 : memref<1x1x2x128xi32, #tpu.memory_space<hbm>> -> memref<2x128xi32, #tpu.memory_space<hbm>>
    %dma_wait3A_34 = arith.constant 0 : i32
    %dma_wait3A_35 = arith.constant 0 : i32
    %dma_wait3A_36 = tpu.memref_slice %arg4[%arg1, %dma_wait3A, %dma_wait3A_34, %dma_wait3A_35] : memref<16x40x2x128xi32, #tpu.memory_space<hbm>> -> memref<1x1x2x128xi32, #tpu.memory_space<hbm>>
    %dma_wait3A_37 = tpu.memref_squeeze %dma_wait3A_36 : memref<1x1x2x128xi32, #tpu.memory_space<hbm>> -> memref<2x128xi32, #tpu.memory_space<hbm>>
    tpu.wait_dma2 semaphore(%arg17 : memref<!tpu.dma_semaphore, #tpu.memory_space<semaphore_mem>>) src(%dma_wait3A_37 : memref<2x128xi32, #tpu.memory_space<hbm>>) dst(%arg11 : memref<2x128xi32, #tpu.memory_space<vmem>>)
    %barrier3A_38 = arith.constant 0 : index
    tpu.barrier barrier_id(%barrier3A_38)
    %mul3A_39 = arith.constant 632 : i32
    %mul3A_40 = arith.muli %arg1, %mul3A_39 : i32
    %eq3A_41 = arith.constant 0 : i32
    %eq3A_42 = arith.cmpi eq, %arg0, %eq3A_41 : i32
    %convert_element_type3A_43 = arith.extui %eq3A_42 : i1 to i32
    %cond3A_44 = arith.constant 0 : i32
    %cond3A_45 = arith.cmpi ne, %convert_element_type3A_43, %cond3A_44 : i32
    scf.if %cond3A_45 {
      "tpu.region"() ({
        %run_scoped3A_51 = tpu.sem_alloc : memref<!tpu.dma_semaphore, #tpu.memory_space<semaphore_mem>>
        %dma_start3A_52 = arith.constant 0 : i32
        %dma_start3A_53 = tpu.memref_slice %arg8[%mul3A_40, %dma_start3A_52] : memref<10112x128xf32, #tpu.memory_space<hbm>> -> memref<632x128xf32, #tpu.memory_space<hbm>>
        %dma_start3A_54 = arith.constant 0 : i32
        %dma_start3A_55 = tpu.memref_slice %arg15[%mul3A_40, %dma_start3A_54] : memref<10112x128xf32, #tpu.memory_space<vmem_shared>> -> memref<632x128xf32, #tpu.memory_space<vmem_shared>>
        tpu.enqueue_dma source(%dma_start3A_55 : memref<632x128xf32, #tpu.memory_space<vmem_shared>>) target(%dma_start3A_53 : memref<632x128xf32, #tpu.memory_space<hbm>>) target_semaphore(%run_scoped3A_51 : memref<!tpu.dma_semaphore, #tpu.memory_space<semaphore_mem>>)
        %dma_wait3A_56 = arith.constant 0 : i32
        %dma_wait3A_57 = tpu.memref_slice %arg8[%mul3A_40, %dma_wait3A_56] : memref<10112x128xf32, #tpu.memory_space<hbm>> -> memref<632x128xf32, #tpu.memory_space<hbm>>
        %dma_wait3A_58 = arith.constant 0 : i32
        %dma_wait3A_59 = tpu.memref_slice %arg15[%mul3A_40, %dma_wait3A_58] : memref<10112x128xf32, #tpu.memory_space<vmem_shared>> -> memref<632x128xf32, #tpu.memory_space<vmem_shared>>
        tpu.wait_dma2 semaphore(%run_scoped3A_51 : memref<!tpu.dma_semaphore, #tpu.memory_space<semaphore_mem>>) src(%dma_wait3A_59 : memref<632x128xf32, #tpu.memory_space<vmem_shared>>) dst(%dma_wait3A_57 : memref<632x128xf32, #tpu.memory_space<hbm>>)
        tpu.yield
      }) : () -> ()
    } else {
    }
    %eq3A_46 = arith.constant 1 : i32
    %eq3A_47 = arith.cmpi eq, %arg0, %eq3A_46 : i32
    %convert_element_type3A_48 = arith.extui %eq3A_47 : i1 to i32
    %cond3A_49 = arith.constant 0 : i32
    %cond3A_50 = arith.cmpi ne, %convert_element_type3A_48, %cond3A_49 : i32
    scf.if %cond3A_50 {
      "tpu.region"() ({
        %run_scoped3A_51 = tpu.sem_alloc : memref<!tpu.dma_semaphore, #tpu.memory_space<semaphore_mem>>
        %dma_start3A_52 = arith.constant 0 : i32
        %dma_start3A_53 = tpu.memref_slice %arg9[%mul3A_40, %dma_start3A_52] : memref<10112x128xf32, #tpu.memory_space<hbm>> -> memref<632x128xf32, #tpu.memory_space<hbm>>
        %dma_start3A_54 = arith.constant 0 : i32
        %dma_start3A_55 = tpu.memref_slice %arg15[%mul3A_40, %dma_start3A_54] : memref<10112x128xf32, #tpu.memory_space<vmem_shared>> -> memref<632x128xf32, #tpu.memory_space<vmem_shared>>
        tpu.enqueue_dma source(%dma_start3A_55 : memref<632x128xf32, #tpu.memory_space<vmem_shared>>) target(%dma_start3A_53 : memref<632x128xf32, #tpu.memory_space<hbm>>) target_semaphore(%run_scoped3A_51 : memref<!tpu.dma_semaphore, #tpu.memory_space<semaphore_mem>>)
        %dma_wait3A_56 = arith.constant 0 : i32
        %dma_wait3A_57 = tpu.memref_slice %arg9[%mul3A_40, %dma_wait3A_56] : memref<10112x128xf32, #tpu.memory_space<hbm>> -> memref<632x128xf32, #tpu.memory_space<hbm>>
        %dma_wait3A_58 = arith.constant 0 : i32
        %dma_wait3A_59 = tpu.memref_slice %arg15[%mul3A_40, %dma_wait3A_58] : memref<10112x128xf32, #tpu.memory_space<vmem_shared>> -> memref<632x128xf32, #tpu.memory_space<vmem_shared>>
        tpu.wait_dma2 semaphore(%run_scoped3A_51 : memref<!tpu.dma_semaphore, #tpu.memory_space<semaphore_mem>>) src(%dma_wait3A_59 : memref<632x128xf32, #tpu.memory_space<vmem_shared>>) dst(%dma_wait3A_57 : memref<632x128xf32, #tpu.memory_space<hbm>>)
        tpu.yield
      }) : () -> ()
    } else {
    }
    return
  }
}

#map = affine_map<(d0, d1) -> (0, 0)>
#map1 = affine_map<(d0, d1) -> (0, 0, 0, 0)>
#map2 = affine_map<(d0, d1) -> (0, 0, 0)>
module attributes {stable_mosaic.version = 14 : i64} {
  func.func @_sc_agg_body(%arg0: i32, %arg1: i32, %arg2: memref<10000x128xf32, #tpu.memory_space<hbm>>, %arg3: memref<10000x128xf32, #tpu.memory_space<hbm>>, %arg4: memref<16x40x2x128xi32, #tpu.memory_space<hbm>>, %arg5: memref<16x80x128xi32, #tpu.memory_space<hbm>>, %arg6: memref<632x128xf32, #tpu.memory_space<hbm>>, %arg7: memref<128x128xf32, #tpu.memory_space<hbm>>, %arg8: memref<10112x128xf32, #tpu.memory_space<hbm>>, %arg9: memref<10112x128xf32, #tpu.memory_space<hbm>>, %arg10: memref<2x128xi32, #tpu.memory_space<vmem>>, %arg11: memref<2x128xi32, #tpu.memory_space<vmem>>, %arg12: memref<128x128xf32, #tpu.memory_space<vmem>>, %arg13: memref<128x128xf32, #tpu.memory_space<vmem>>, %arg14: memref<80x128xi32, #tpu.memory_space<vmem>>, %arg15: memref<10112x128xf32, #tpu.memory_space<vmem_shared>>, %arg16: memref<!tpu.dma_semaphore, #tpu.memory_space<semaphore_mem>>, %arg17: memref<!tpu.dma_semaphore, #tpu.memory_space<semaphore_mem>>, %arg18: memref<!tpu.dma_semaphore, #tpu.memory_space<semaphore_mem>>, %arg19: memref<!tpu.dma_semaphore, #tpu.memory_space<semaphore_mem>>, %arg20: memref<!tpu.dma_semaphore, #tpu.memory_space<semaphore_mem>>, %arg21: memref<!tpu.dma_semaphore, #tpu.memory_space<semaphore_mem>>) attributes {dimension_semantics = [#tpu.dimension_semantics<core_parallel>, #tpu.dimension_semantics<subcore_parallel>], iteration_bounds = array<i64: 2, 16>, scalar_prefetch = 0 : i64, scratch_operands = 12 : i64, tpu.core_type = #tpu.core_type<sc_vector_subcore>, window_params = [{transform_indices = #map}, {transform_indices = #map}, {transform_indices = #map1}, {transform_indices = #map2}, {transform_indices = #map}, {transform_indices = #map}, {transform_indices = #map}, {transform_indices = #map}]} {
    "tpu.region"() ({
      %run_scoped3A_51 = tpu.sem_alloc : memref<!tpu.dma_semaphore, #tpu.memory_space<semaphore_mem>>
      %dma_start3A_52 = arith.constant 0 : i32
      %dma_start3A_53 = arith.constant 0 : i32
      %dma_start3A_54 = tpu.memref_slice %arg5[%arg1, %dma_start3A_52, %dma_start3A_53] : memref<16x80x128xi32, #tpu.memory_space<hbm>> -> memref<1x80x128xi32, #tpu.memory_space<hbm>>
      %dma_start3A_55 = tpu.memref_squeeze %dma_start3A_54 : memref<1x80x128xi32, #tpu.memory_space<hbm>> -> memref<80x128xi32, #tpu.memory_space<hbm>>
      %dma_start3A_56 = arith.constant 0 : i32
      %dma_start3A_57 = arith.constant 0 : i32
      %dma_start3A_58 = tpu.memref_slice %arg5[%arg1, %dma_start3A_56, %dma_start3A_57] : memref<16x80x128xi32, #tpu.memory_space<hbm>> -> memref<1x80x128xi32, #tpu.memory_space<hbm>>
      %dma_start3A_59 = tpu.memref_squeeze %dma_start3A_58 : memref<1x80x128xi32, #tpu.memory_space<hbm>> -> memref<80x128xi32, #tpu.memory_space<hbm>>
      tpu.enqueue_dma source(%dma_start3A_59 : memref<80x128xi32, #tpu.memory_space<hbm>>) target(%arg14 : memref<80x128xi32, #tpu.memory_space<vmem>>) target_semaphore(%run_scoped3A_51 : memref<!tpu.dma_semaphore, #tpu.memory_space<semaphore_mem>>)
      %dma_wait3A_60 = arith.constant 0 : i32
      %dma_wait3A_61 = arith.constant 0 : i32
      %dma_wait3A_62 = tpu.memref_slice %arg5[%arg1, %dma_wait3A_60, %dma_wait3A_61] : memref<16x80x128xi32, #tpu.memory_space<hbm>> -> memref<1x80x128xi32, #tpu.memory_space<hbm>>
      %dma_wait3A_63 = tpu.memref_squeeze %dma_wait3A_62 : memref<1x80x128xi32, #tpu.memory_space<hbm>> -> memref<80x128xi32, #tpu.memory_space<hbm>>
      %dma_wait3A_64 = arith.constant 0 : i32
      %dma_wait3A_65 = arith.constant 0 : i32
      %dma_wait3A_66 = tpu.memref_slice %arg5[%arg1, %dma_wait3A_64, %dma_wait3A_65] : memref<16x80x128xi32, #tpu.memory_space<hbm>> -> memref<1x80x128xi32, #tpu.memory_space<hbm>>
      %dma_wait3A_67 = tpu.memref_squeeze %dma_wait3A_66 : memref<1x80x128xi32, #tpu.memory_space<hbm>> -> memref<80x128xi32, #tpu.memory_space<hbm>>
      tpu.wait_dma2 semaphore(%run_scoped3A_51 : memref<!tpu.dma_semaphore, #tpu.memory_space<semaphore_mem>>) src(%dma_wait3A_67 : memref<80x128xi32, #tpu.memory_space<hbm>>) dst(%arg14 : memref<80x128xi32, #tpu.memory_space<vmem>>)
      tpu.yield
    }) : () -> ()
    %run_scoped3A = arith.constant 0 : i32
    "tpu.region"() ({
      %run_scoped3A_51 = tpu.sem_alloc : memref<!tpu.dma_semaphore, #tpu.memory_space<semaphore_mem>>
      %dma_start3A_52 = arith.constant 0 : i32
      %dma_start3A_53 = arith.constant 0 : i32
      %dma_start3A_54 = tpu.memref_slice %arg4[%arg1, %run_scoped3A, %dma_start3A_52, %dma_start3A_53] : memref<16x40x2x128xi32, #tpu.memory_space<hbm>> -> memref<1x1x2x128xi32, #tpu.memory_space<hbm>>
      %dma_start3A_55 = tpu.memref_squeeze %dma_start3A_54 : memref<1x1x2x128xi32, #tpu.memory_space<hbm>> -> memref<2x128xi32, #tpu.memory_space<hbm>>
      %dma_start3A_56 = arith.constant 0 : i32
      %dma_start3A_57 = arith.constant 0 : i32
      %dma_start3A_58 = tpu.memref_slice %arg4[%arg1, %run_scoped3A, %dma_start3A_56, %dma_start3A_57] : memref<16x40x2x128xi32, #tpu.memory_space<hbm>> -> memref<1x1x2x128xi32, #tpu.memory_space<hbm>>
      %dma_start3A_59 = tpu.memref_squeeze %dma_start3A_58 : memref<1x1x2x128xi32, #tpu.memory_space<hbm>> -> memref<2x128xi32, #tpu.memory_space<hbm>>
      tpu.enqueue_dma source(%dma_start3A_59 : memref<2x128xi32, #tpu.memory_space<hbm>>) target(%arg10 : memref<2x128xi32, #tpu.memory_space<vmem>>) target_semaphore(%run_scoped3A_51 : memref<!tpu.dma_semaphore, #tpu.memory_space<semaphore_mem>>)
      %dma_wait3A_60 = arith.constant 0 : i32
      %dma_wait3A_61 = arith.constant 0 : i32
      %dma_wait3A_62 = tpu.memref_slice %arg4[%arg1, %run_scoped3A, %dma_wait3A_60, %dma_wait3A_61] : memref<16x40x2x128xi32, #tpu.memory_space<hbm>> -> memref<1x1x2x128xi32, #tpu.memory_space<hbm>>
      %dma_wait3A_63 = tpu.memref_squeeze %dma_wait3A_62 : memref<1x1x2x128xi32, #tpu.memory_space<hbm>> -> memref<2x128xi32, #tpu.memory_space<hbm>>
      %dma_wait3A_64 = arith.constant 0 : i32
      %dma_wait3A_65 = arith.constant 0 : i32
      %dma_wait3A_66 = tpu.memref_slice %arg4[%arg1, %run_scoped3A, %dma_wait3A_64, %dma_wait3A_65] : memref<16x40x2x128xi32, #tpu.memory_space<hbm>> -> memref<1x1x2x128xi32, #tpu.memory_space<hbm>>
      %dma_wait3A_67 = tpu.memref_squeeze %dma_wait3A_66 : memref<1x1x2x128xi32, #tpu.memory_space<hbm>> -> memref<2x128xi32, #tpu.memory_space<hbm>>
      tpu.wait_dma2 semaphore(%run_scoped3A_51 : memref<!tpu.dma_semaphore, #tpu.memory_space<semaphore_mem>>) src(%dma_wait3A_67 : memref<2x128xi32, #tpu.memory_space<hbm>>) dst(%arg10 : memref<2x128xi32, #tpu.memory_space<vmem>>)
      tpu.yield
    }) : () -> ()
    %eq3A = arith.constant 0 : i32
    %eq3A_0 = arith.cmpi eq, %arg0, %eq3A : i32
    %convert_element_type3A = arith.extui %eq3A_0 : i1 to i32
    %cond3A = arith.constant 0 : i32
    %cond3A_1 = arith.constant 0 : i32
    %cond3A_2 = arith.cmpi ne, %convert_element_type3A, %cond3A_1 : i32
    scf.if %cond3A_2 {
      %dma_start3A_51 = arith.constant 0 : i32
      %dma_start3A_52 = tpu.memref_slice %arg10[%cond3A, %dma_start3A_51] : memref<2x128xi32, #tpu.memory_space<vmem>> -> memref<1x128xi32, #tpu.memory_space<vmem>>
      %dma_start3A_53 = tpu.memref_squeeze %dma_start3A_52 : memref<1x128xi32, #tpu.memory_space<vmem>> -> memref<128xi32, #tpu.memory_space<vmem>>
      %dma_start3A_54 = arith.constant 0 : i32
      %dma_start3A_55 = arith.constant 0 : i32
      %dma_start3A_56 = tpu.memref_slice %arg2[%dma_start3A_54, %dma_start3A_55] : memref<10000x128xf32, #tpu.memory_space<hbm>> -> memref<10000x128xf32, #tpu.memory_space<hbm>>
      tpu.enqueue_indirect_dma source(%dma_start3A_56 : memref<10000x128xf32, #tpu.memory_space<hbm>>) target(%arg12 : memref<128x128xf32, #tpu.memory_space<vmem>>) offsets(%dma_start3A_53 : memref<128xi32, #tpu.memory_space<vmem>>) semaphore(%arg18 : memref<!tpu.dma_semaphore, #tpu.memory_space<semaphore_mem>>)
    } else {
    }
    %eq3A_3 = arith.constant 1 : i32
    %eq3A_4 = arith.cmpi eq, %arg0, %eq3A_3 : i32
    %convert_element_type3A_5 = arith.extui %eq3A_4 : i1 to i32
    %cond3A_6 = arith.constant 0 : i32
    %cond3A_7 = arith.constant 0 : i32
    %cond3A_8 = arith.cmpi ne, %convert_element_type3A_5, %cond3A_7 : i32
    scf.if %cond3A_8 {
      %dma_start3A_51 = arith.constant 0 : i32
      %dma_start3A_52 = tpu.memref_slice %arg10[%cond3A_6, %dma_start3A_51] : memref<2x128xi32, #tpu.memory_space<vmem>> -> memref<1x128xi32, #tpu.memory_space<vmem>>
      %dma_start3A_53 = tpu.memref_squeeze %dma_start3A_52 : memref<1x128xi32, #tpu.memory_space<vmem>> -> memref<128xi32, #tpu.memory_space<vmem>>
      %dma_start3A_54 = arith.constant 0 : i32
      %dma_start3A_55 = arith.constant 0 : i32
      %dma_start3A_56 = tpu.memref_slice %arg3[%dma_start3A_54, %dma_start3A_55] : memref<10000x128xf32, #tpu.memory_space<hbm>> -> memref<10000x128xf32, #tpu.memory_space<hbm>>
      tpu.enqueue_indirect_dma source(%dma_start3A_56 : memref<10000x128xf32, #tpu.memory_space<hbm>>) target(%arg12 : memref<128x128xf32, #tpu.memory_space<vmem>>) offsets(%dma_start3A_53 : memref<128xi32, #tpu.memory_space<vmem>>) semaphore(%arg18 : memref<!tpu.dma_semaphore, #tpu.memory_space<semaphore_mem>>)
    } else {
    }
    %dma_start3A = arith.constant 1 : i32
    %dma_start3A_9 = arith.constant 0 : i32
    %dma_start3A_10 = arith.constant 0 : i32
    %dma_start3A_11 = tpu.memref_slice %arg4[%arg1, %dma_start3A, %dma_start3A_9, %dma_start3A_10] : memref<16x40x2x128xi32, #tpu.memory_space<hbm>> -> memref<1x1x2x128xi32, #tpu.memory_space<hbm>>
    %dma_start3A_12 = tpu.memref_squeeze %dma_start3A_11 : memref<1x1x2x128xi32, #tpu.memory_space<hbm>> -> memref<2x128xi32, #tpu.memory_space<hbm>>
    %dma_start3A_13 = arith.constant 0 : i32
    %dma_start3A_14 = arith.constant 0 : i32
    %dma_start3A_15 = tpu.memref_slice %arg4[%arg1, %dma_start3A, %dma_start3A_13, %dma_start3A_14] : memref<16x40x2x128xi32, #tpu.memory_space<hbm>> -> memref<1x1x2x128xi32, #tpu.memory_space<hbm>>
    %dma_start3A_16 = tpu.memref_squeeze %dma_start3A_15 : memref<1x1x2x128xi32, #tpu.memory_space<hbm>> -> memref<2x128xi32, #tpu.memory_space<hbm>>
    tpu.enqueue_dma source(%dma_start3A_16 : memref<2x128xi32, #tpu.memory_space<hbm>>) target(%arg11 : memref<2x128xi32, #tpu.memory_space<vmem>>) target_semaphore(%arg17 : memref<!tpu.dma_semaphore, #tpu.memory_space<semaphore_mem>>)
    "tpu.region"() ({
      %run_scoped3A_51 = tpu.sem_alloc : memref<!tpu.dma_semaphore, #tpu.memory_space<semaphore_mem>>
      tpu.enqueue_dma source(%arg7 : memref<128x128xf32, #tpu.memory_space<hbm>>) target(%arg13 : memref<128x128xf32, #tpu.memory_space<vmem>>) target_semaphore(%run_scoped3A_51 : memref<!tpu.dma_semaphore, #tpu.memory_space<semaphore_mem>>)
      tpu.wait_dma2 semaphore(%run_scoped3A_51 : memref<!tpu.dma_semaphore, #tpu.memory_space<semaphore_mem>>) src(%arg7 : memref<128x128xf32, #tpu.memory_space<hbm>>) dst(%arg13 : memref<128x128xf32, #tpu.memory_space<vmem>>)
      tpu.yield
    }) : () -> ()
    %mul3A = arith.constant 632 : i32
    %mul3A_17 = arith.muli %arg1, %mul3A : i32
    "tpu.region"() ({
      %run_scoped3A_51 = tpu.sem_alloc : memref<!tpu.dma_semaphore, #tpu.memory_space<semaphore_mem>>
      %dma_start3A_52 = arith.constant 0 : i32
      %dma_start3A_53 = tpu.memref_slice %arg15[%mul3A_17, %dma_start3A_52] : memref<10112x128xf32, #tpu.memory_space<vmem_shared>> -> memref<632x128xf32, #tpu.memory_space<vmem_shared>>
      tpu.enqueue_dma source(%arg6 : memref<632x128xf32, #tpu.memory_space<hbm>>) target(%dma_start3A_53 : memref<632x128xf32, #tpu.memory_space<vmem_shared>>) target_semaphore(%run_scoped3A_51 : memref<!tpu.dma_semaphore, #tpu.memory_space<semaphore_mem>>)
      %dma_wait3A_54 = arith.constant 0 : i32
      %dma_wait3A_55 = tpu.memref_slice %arg15[%mul3A_17, %dma_wait3A_54] : memref<10112x128xf32, #tpu.memory_space<vmem_shared>> -> memref<632x128xf32, #tpu.memory_space<vmem_shared>>
      tpu.wait_dma2 semaphore(%run_scoped3A_51 : memref<!tpu.dma_semaphore, #tpu.memory_space<semaphore_mem>>) src(%arg6 : memref<632x128xf32, #tpu.memory_space<hbm>>) dst(%dma_wait3A_55 : memref<632x128xf32, #tpu.memory_space<vmem_shared>>)
      tpu.yield
    }) : () -> ()
    %barrier3A = arith.constant 0 : index
    tpu.barrier barrier_id(%barrier3A)
    %dma_start3A_18 = arith.constant 0 : i32
    %dma_start3A_19 = arith.constant 0 : i32
    %dma_start3A_20 = tpu.memref_slice %arg14[%dma_start3A_18, %dma_start3A_19] : memref<80x128xi32, #tpu.memory_space<vmem>> -> memref<1x128xi32, #tpu.memory_space<vmem>>
    %dma_start3A_21 = tpu.memref_squeeze %dma_start3A_20 : memref<1x128xi32, #tpu.memory_space<vmem>> -> memref<128xi32, #tpu.memory_space<vmem>>
    %dma_start3A_22 = arith.constant 0 : i32
    %dma_start3A_23 = arith.constant 0 : i32
    %dma_start3A_24 = tpu.memref_slice %arg15[%dma_start3A_22, %dma_start3A_23] : memref<10112x128xf32, #tpu.memory_space<vmem_shared>> -> memref<10112x128xf32, #tpu.memory_space<vmem_shared>>
    tpu.enqueue_indirect_dma source(%arg13 : memref<128x128xf32, #tpu.memory_space<vmem>>) target(%dma_start3A_24 : memref<10112x128xf32, #tpu.memory_space<vmem_shared>>) offsets(%dma_start3A_21 : memref<128xi32, #tpu.memory_space<vmem>>) semaphore(%arg21 : memref<!tpu.dma_semaphore, #tpu.memory_space<semaphore_mem>>) {add = true}
    %scan3A = arith.constant 0 : i32
    %scan3A_25 = arith.constant 0 : i32
    %scan3A_26 = arith.constant 20 : i32
    %scan3A_27 = arith.addi %scan3A_25, %scan3A_26 : i32
    %scan3A_28 = arith.constant 1 : i32
    scf.for %scan3A_51 = %scan3A_25 to %scan3A_27 step %scan3A_28  : i32 {
      %mul3A_52 = arith.constant 4 : i32
      %mul3A_53 = arith.muli %mul3A_52, %scan3A_51 : i32
      tpu.wait_dma2 semaphore(%arg18 : memref<!tpu.dma_semaphore, #tpu.memory_space<semaphore_mem>>) src(%arg7 : memref<128x128xf32, #tpu.memory_space<hbm>>) dst(%arg12 : memref<128x128xf32, #tpu.memory_space<vmem>>)
      %dma_start3A_54 = arith.constant 0 : i32
      %dma_start3A_55 = tpu.memref_slice %arg14[%mul3A_53, %dma_start3A_54] : memref<80x128xi32, #tpu.memory_space<vmem>> -> memref<1x128xi32, #tpu.memory_space<vmem>>
      %dma_start3A_56 = tpu.memref_squeeze %dma_start3A_55 : memref<1x128xi32, #tpu.memory_space<vmem>> -> memref<128xi32, #tpu.memory_space<vmem>>
      %dma_start3A_57 = arith.constant 0 : i32
      %dma_start3A_58 = arith.constant 0 : i32
      %dma_start3A_59 = tpu.memref_slice %arg15[%dma_start3A_57, %dma_start3A_58] : memref<10112x128xf32, #tpu.memory_space<vmem_shared>> -> memref<10112x128xf32, #tpu.memory_space<vmem_shared>>
      tpu.enqueue_indirect_dma source(%arg12 : memref<128x128xf32, #tpu.memory_space<vmem>>) target(%dma_start3A_59 : memref<10112x128xf32, #tpu.memory_space<vmem_shared>>) offsets(%dma_start3A_56 : memref<128xi32, #tpu.memory_space<vmem>>) semaphore(%arg20 : memref<!tpu.dma_semaphore, #tpu.memory_space<semaphore_mem>>) {add = true}
      tpu.wait_dma2 semaphore(%arg21 : memref<!tpu.dma_semaphore, #tpu.memory_space<semaphore_mem>>) src(%arg7 : memref<128x128xf32, #tpu.memory_space<hbm>>) dst(%arg13 : memref<128x128xf32, #tpu.memory_space<vmem>>)
      %eq3A_60 = arith.constant 0 : i32
      %eq3A_61 = arith.cmpi eq, %arg0, %eq3A_60 : i32
      %convert_element_type3A_62 = arith.extui %eq3A_61 : i1 to i32
      %cond3A_63 = arith.constant 1 : i32
      %cond3A_64 = arith.constant 0 : i32
      %cond3A_65 = arith.cmpi ne, %convert_element_type3A_62, %cond3A_64 : i32
      scf.if %cond3A_65 {
        %dma_start3A_240 = arith.constant 0 : i32
        %dma_start3A_241 = tpu.memref_slice %arg10[%cond3A_63, %dma_start3A_240] : memref<2x128xi32, #tpu.memory_space<vmem>> -> memref<1x128xi32, #tpu.memory_space<vmem>>
        %dma_start3A_242 = tpu.memref_squeeze %dma_start3A_241 : memref<1x128xi32, #tpu.memory_space<vmem>> -> memref<128xi32, #tpu.memory_space<vmem>>
        %dma_start3A_243 = arith.constant 0 : i32
        %dma_start3A_244 = arith.constant 0 : i32
        %dma_start3A_245 = tpu.memref_slice %arg2[%dma_start3A_243, %dma_start3A_244] : memref<10000x128xf32, #tpu.memory_space<hbm>> -> memref<10000x128xf32, #tpu.memory_space<hbm>>
        tpu.enqueue_indirect_dma source(%dma_start3A_245 : memref<10000x128xf32, #tpu.memory_space<hbm>>) target(%arg13 : memref<128x128xf32, #tpu.memory_space<vmem>>) offsets(%dma_start3A_242 : memref<128xi32, #tpu.memory_space<vmem>>) semaphore(%arg19 : memref<!tpu.dma_semaphore, #tpu.memory_space<semaphore_mem>>)
      } else {
      }
      %eq3A_66 = arith.constant 1 : i32
      %eq3A_67 = arith.cmpi eq, %arg0, %eq3A_66 : i32
      %convert_element_type3A_68 = arith.extui %eq3A_67 : i1 to i32
      %cond3A_69 = arith.constant 1 : i32
      %cond3A_70 = arith.constant 0 : i32
      %cond3A_71 = arith.cmpi ne, %convert_element_type3A_68, %cond3A_70 : i32
      scf.if %cond3A_71 {
        %dma_start3A_240 = arith.constant 0 : i32
        %dma_start3A_241 = tpu.memref_slice %arg10[%cond3A_69, %dma_start3A_240] : memref<2x128xi32, #tpu.memory_space<vmem>> -> memref<1x128xi32, #tpu.memory_space<vmem>>
        %dma_start3A_242 = tpu.memref_squeeze %dma_start3A_241 : memref<1x128xi32, #tpu.memory_space<vmem>> -> memref<128xi32, #tpu.memory_space<vmem>>
        %dma_start3A_243 = arith.constant 0 : i32
        %dma_start3A_244 = arith.constant 0 : i32
        %dma_start3A_245 = tpu.memref_slice %arg3[%dma_start3A_243, %dma_start3A_244] : memref<10000x128xf32, #tpu.memory_space<hbm>> -> memref<10000x128xf32, #tpu.memory_space<hbm>>
        tpu.enqueue_indirect_dma source(%dma_start3A_245 : memref<10000x128xf32, #tpu.memory_space<hbm>>) target(%arg13 : memref<128x128xf32, #tpu.memory_space<vmem>>) offsets(%dma_start3A_242 : memref<128xi32, #tpu.memory_space<vmem>>) semaphore(%arg19 : memref<!tpu.dma_semaphore, #tpu.memory_space<semaphore_mem>>)
      } else {
      }
      tpu.wait_dma2 semaphore(%arg19 : memref<!tpu.dma_semaphore, #tpu.memory_space<semaphore_mem>>) src(%arg7 : memref<128x128xf32, #tpu.memory_space<hbm>>) dst(%arg13 : memref<128x128xf32, #tpu.memory_space<vmem>>)
      %add3A = arith.constant 1 : i32
      %add3A_72 = arith.addi %mul3A_53, %add3A : i32
      %dma_start3A_73 = arith.constant 0 : i32
      %dma_start3A_74 = tpu.memref_slice %arg14[%add3A_72, %dma_start3A_73] : memref<80x128xi32, #tpu.memory_space<vmem>> -> memref<1x128xi32, #tpu.memory_space<vmem>>
      %dma_start3A_75 = tpu.memref_squeeze %dma_start3A_74 : memref<1x128xi32, #tpu.memory_space<vmem>> -> memref<128xi32, #tpu.memory_space<vmem>>
      %dma_start3A_76 = arith.constant 0 : i32
      %dma_start3A_77 = arith.constant 0 : i32
      %dma_start3A_78 = tpu.memref_slice %arg15[%dma_start3A_76, %dma_start3A_77] : memref<10112x128xf32, #tpu.memory_space<vmem_shared>> -> memref<10112x128xf32, #tpu.memory_space<vmem_shared>>
      tpu.enqueue_indirect_dma source(%arg13 : memref<128x128xf32, #tpu.memory_space<vmem>>) target(%dma_start3A_78 : memref<10112x128xf32, #tpu.memory_space<vmem_shared>>) offsets(%dma_start3A_75 : memref<128xi32, #tpu.memory_space<vmem>>) semaphore(%arg21 : memref<!tpu.dma_semaphore, #tpu.memory_space<semaphore_mem>>) {add = true}
      %dma_wait3A_79 = arith.constant 0 : i32
      %dma_wait3A_80 = arith.constant 0 : i32
      %dma_wait3A_81 = arith.constant 0 : i32
      %dma_wait3A_82 = tpu.memref_slice %arg4[%arg1, %dma_wait3A_79, %dma_wait3A_80, %dma_wait3A_81] : memref<16x40x2x128xi32, #tpu.memory_space<hbm>> -> memref<1x1x2x128xi32, #tpu.memory_space<hbm>>
      %dma_wait3A_83 = tpu.memref_squeeze %dma_wait3A_82 : memref<1x1x2x128xi32, #tpu.memory_space<hbm>> -> memref<2x128xi32, #tpu.memory_space<hbm>>
      %dma_wait3A_84 = arith.constant 0 : i32
      %dma_wait3A_85 = arith.constant 0 : i32
      %dma_wait3A_86 = tpu.memref_slice %arg4[%arg1, %dma_wait3A_79, %dma_wait3A_84, %dma_wait3A_85] : memref<16x40x2x128xi32, #tpu.memory_space<hbm>> -> memref<1x1x2x128xi32, #tpu.memory_space<hbm>>
      %dma_wait3A_87 = tpu.memref_squeeze %dma_wait3A_86 : memref<1x1x2x128xi32, #tpu.memory_space<hbm>> -> memref<2x128xi32, #tpu.memory_space<hbm>>
      tpu.wait_dma2 semaphore(%arg17 : memref<!tpu.dma_semaphore, #tpu.memory_space<semaphore_mem>>) src(%dma_wait3A_87 : memref<2x128xi32, #tpu.memory_space<hbm>>) dst(%arg11 : memref<2x128xi32, #tpu.memory_space<vmem>>)
      tpu.wait_dma2 semaphore(%arg20 : memref<!tpu.dma_semaphore, #tpu.memory_space<semaphore_mem>>) src(%arg7 : memref<128x128xf32, #tpu.memory_space<hbm>>) dst(%arg12 : memref<128x128xf32, #tpu.memory_space<vmem>>)
      %eq3A_88 = arith.constant 0 : i32
      %eq3A_89 = arith.cmpi eq, %arg0, %eq3A_88 : i32
      %convert_element_type3A_90 = arith.extui %eq3A_89 : i1 to i32
      %cond3A_91 = arith.constant 0 : i32
      %cond3A_92 = arith.constant 0 : i32
      %cond3A_93 = arith.cmpi ne, %convert_element_type3A_90, %cond3A_92 : i32
      scf.if %cond3A_93 {
        %dma_start3A_240 = arith.constant 0 : i32
        %dma_start3A_241 = tpu.memref_slice %arg11[%cond3A_91, %dma_start3A_240] : memref<2x128xi32, #tpu.memory_space<vmem>> -> memref<1x128xi32, #tpu.memory_space<vmem>>
        %dma_start3A_242 = tpu.memref_squeeze %dma_start3A_241 : memref<1x128xi32, #tpu.memory_space<vmem>> -> memref<128xi32, #tpu.memory_space<vmem>>
        %dma_start3A_243 = arith.constant 0 : i32
        %dma_start3A_244 = arith.constant 0 : i32
        %dma_start3A_245 = tpu.memref_slice %arg2[%dma_start3A_243, %dma_start3A_244] : memref<10000x128xf32, #tpu.memory_space<hbm>> -> memref<10000x128xf32, #tpu.memory_space<hbm>>
        tpu.enqueue_indirect_dma source(%dma_start3A_245 : memref<10000x128xf32, #tpu.memory_space<hbm>>) target(%arg12 : memref<128x128xf32, #tpu.memory_space<vmem>>) offsets(%dma_start3A_242 : memref<128xi32, #tpu.memory_space<vmem>>) semaphore(%arg18 : memref<!tpu.dma_semaphore, #tpu.memory_space<semaphore_mem>>)
      } else {
      }
      %eq3A_94 = arith.constant 1 : i32
      %eq3A_95 = arith.cmpi eq, %arg0, %eq3A_94 : i32
      %convert_element_type3A_96 = arith.extui %eq3A_95 : i1 to i32
      %cond3A_97 = arith.constant 0 : i32
      %cond3A_98 = arith.constant 0 : i32
      %cond3A_99 = arith.cmpi ne, %convert_element_type3A_96, %cond3A_98 : i32
      scf.if %cond3A_99 {
        %dma_start3A_240 = arith.constant 0 : i32
        %dma_start3A_241 = tpu.memref_slice %arg11[%cond3A_97, %dma_start3A_240] : memref<2x128xi32, #tpu.memory_space<vmem>> -> memref<1x128xi32, #tpu.memory_space<vmem>>
        %dma_start3A_242 = tpu.memref_squeeze %dma_start3A_241 : memref<1x128xi32, #tpu.memory_space<vmem>> -> memref<128xi32, #tpu.memory_space<vmem>>
        %dma_start3A_243 = arith.constant 0 : i32
        %dma_start3A_244 = arith.constant 0 : i32
        %dma_start3A_245 = tpu.memref_slice %arg3[%dma_start3A_243, %dma_start3A_244] : memref<10000x128xf32, #tpu.memory_space<hbm>> -> memref<10000x128xf32, #tpu.memory_space<hbm>>
        tpu.enqueue_indirect_dma source(%dma_start3A_245 : memref<10000x128xf32, #tpu.memory_space<hbm>>) target(%arg12 : memref<128x128xf32, #tpu.memory_space<vmem>>) offsets(%dma_start3A_242 : memref<128xi32, #tpu.memory_space<vmem>>) semaphore(%arg18 : memref<!tpu.dma_semaphore, #tpu.memory_space<semaphore_mem>>)
      } else {
      }
      %add3A_100 = arith.constant 4 : i32
      %add3A_101 = arith.addi %mul3A_53, %add3A_100 : i32
      %jit3A = arith.constant 2 : i32
      %div3A = arith.divsi %add3A_101, %jit3A : i32
      %sign3A = arith.constant 0 : i32
      %sign3A_102 = arith.cmpi sgt, %add3A_101, %sign3A : i32
      %sign3A_103 = arith.extui %sign3A_102 : i1 to i32
      %sign3A_104 = arith.constant 0 : i32
      %sign3A_105 = arith.cmpi slt, %add3A_101, %sign3A_104 : i32
      %sign3A_106 = arith.extui %sign3A_105 : i1 to i32
      %sign3A_107 = arith.subi %sign3A_103, %sign3A_106 : i32
      %sign3A_108 = arith.constant 0 : i32
      %sign3A_109 = arith.cmpi sgt, %jit3A, %sign3A_108 : i32
      %sign3A_110 = arith.extui %sign3A_109 : i1 to i32
      %sign3A_111 = arith.constant 0 : i32
      %sign3A_112 = arith.cmpi slt, %jit3A, %sign3A_111 : i32
      %sign3A_113 = arith.extui %sign3A_112 : i1 to i32
      %sign3A_114 = arith.subi %sign3A_110, %sign3A_113 : i32
      %ne3A = arith.cmpi ne, %sign3A_107, %sign3A_114 : i32
      %rem3A = arith.remsi %add3A_101, %jit3A : i32
      %ne3A_115 = arith.constant 0 : i32
      %ne3A_116 = arith.cmpi ne, %rem3A, %ne3A_115 : i32
      %and3A = arith.andi %ne3A, %ne3A_116 : i1
      %sub3A = arith.constant 1 : i32
      %sub3A_117 = arith.subi %div3A, %sub3A : i32
      %select_n3A = arith.select %and3A, %sub3A_117, %div3A : i32
      %jit3A_118 = arith.constant 40 : i32
      %eq3A_119 = arith.constant 0 : i32
      %eq3A_120 = arith.cmpi eq, %jit3A_118, %eq3A_119 : i32
      %jit3A_121 = arith.constant 1 : i32
      %select_n3A_122 = arith.select %eq3A_120, %jit3A_121, %jit3A_118 : i32
      %rem3A_123 = arith.remsi %select_n3A, %select_n3A_122 : i32
      %ne3A_124 = arith.constant 0 : i32
      %ne3A_125 = arith.cmpi ne, %rem3A_123, %ne3A_124 : i32
      %lt3A = arith.constant 0 : i32
      %lt3A_126 = arith.cmpi slt, %rem3A_123, %lt3A : i32
      %lt3A_127 = arith.constant 0 : i32
      %lt3A_128 = arith.cmpi slt, %select_n3A_122, %lt3A_127 : i32
      %ne3A_129 = arith.xori %lt3A_126, %lt3A_128 : i1
      %and3A_130 = arith.andi %ne3A_129, %ne3A_125 : i1
      %add3A_131 = arith.addi %rem3A_123, %select_n3A_122 : i32
      %select_n3A_132 = arith.select %and3A_130, %add3A_131, %rem3A_123 : i32
      %dma_start3A_133 = arith.constant 0 : i32
      %dma_start3A_134 = arith.constant 0 : i32
      %dma_start3A_135 = tpu.memref_slice %arg4[%arg1, %select_n3A_132, %dma_start3A_133, %dma_start3A_134] : memref<16x40x2x128xi32, #tpu.memory_space<hbm>> -> memref<1x1x2x128xi32, #tpu.memory_space<hbm>>
      %dma_start3A_136 = tpu.memref_squeeze %dma_start3A_135 : memref<1x1x2x128xi32, #tpu.memory_space<hbm>> -> memref<2x128xi32, #tpu.memory_space<hbm>>
      %dma_start3A_137 = arith.constant 0 : i32
      %dma_start3A_138 = arith.constant 0 : i32
      %dma_start3A_139 = tpu.memref_slice %arg4[%arg1, %select_n3A_132, %dma_start3A_137, %dma_start3A_138] : memref<16x40x2x128xi32, #tpu.memory_space<hbm>> -> memref<1x1x2x128xi32, #tpu.memory_space<hbm>>
      %dma_start3A_140 = tpu.memref_squeeze %dma_start3A_139 : memref<1x1x2x128xi32, #tpu.memory_space<hbm>> -> memref<2x128xi32, #tpu.memory_space<hbm>>
      tpu.enqueue_dma source(%dma_start3A_140 : memref<2x128xi32, #tpu.memory_space<hbm>>) target(%arg10 : memref<2x128xi32, #tpu.memory_space<vmem>>) target_semaphore(%arg16 : memref<!tpu.dma_semaphore, #tpu.memory_space<semaphore_mem>>)
      %add3A_141 = arith.constant 2 : i32
      %add3A_142 = arith.addi %mul3A_53, %add3A_141 : i32
      tpu.wait_dma2 semaphore(%arg18 : memref<!tpu.dma_semaphore, #tpu.memory_space<semaphore_mem>>) src(%arg7 : memref<128x128xf32, #tpu.memory_space<hbm>>) dst(%arg12 : memref<128x128xf32, #tpu.memory_space<vmem>>)
      %dma_start3A_143 = arith.constant 0 : i32
      %dma_start3A_144 = tpu.memref_slice %arg14[%add3A_142, %dma_start3A_143] : memref<80x128xi32, #tpu.memory_space<vmem>> -> memref<1x128xi32, #tpu.memory_space<vmem>>
      %dma_start3A_145 = tpu.memref_squeeze %dma_start3A_144 : memref<1x128xi32, #tpu.memory_space<vmem>> -> memref<128xi32, #tpu.memory_space<vmem>>
      %dma_start3A_146 = arith.constant 0 : i32
      %dma_start3A_147 = arith.constant 0 : i32
      %dma_start3A_148 = tpu.memref_slice %arg15[%dma_start3A_146, %dma_start3A_147] : memref<10112x128xf32, #tpu.memory_space<vmem_shared>> -> memref<10112x128xf32, #tpu.memory_space<vmem_shared>>
      tpu.enqueue_indirect_dma source(%arg12 : memref<128x128xf32, #tpu.memory_space<vmem>>) target(%dma_start3A_148 : memref<10112x128xf32, #tpu.memory_space<vmem_shared>>) offsets(%dma_start3A_145 : memref<128xi32, #tpu.memory_space<vmem>>) semaphore(%arg20 : memref<!tpu.dma_semaphore, #tpu.memory_space<semaphore_mem>>) {add = true}
      tpu.wait_dma2 semaphore(%arg21 : memref<!tpu.dma_semaphore, #tpu.memory_space<semaphore_mem>>) src(%arg7 : memref<128x128xf32, #tpu.memory_space<hbm>>) dst(%arg13 : memref<128x128xf32, #tpu.memory_space<vmem>>)
      %eq3A_149 = arith.constant 0 : i32
      %eq3A_150 = arith.cmpi eq, %arg0, %eq3A_149 : i32
      %convert_element_type3A_151 = arith.extui %eq3A_150 : i1 to i32
      %cond3A_152 = arith.constant 1 : i32
      %cond3A_153 = arith.constant 0 : i32
      %cond3A_154 = arith.cmpi ne, %convert_element_type3A_151, %cond3A_153 : i32
      scf.if %cond3A_154 {
        %dma_start3A_240 = arith.constant 0 : i32
        %dma_start3A_241 = tpu.memref_slice %arg11[%cond3A_152, %dma_start3A_240] : memref<2x128xi32, #tpu.memory_space<vmem>> -> memref<1x128xi32, #tpu.memory_space<vmem>>
        %dma_start3A_242 = tpu.memref_squeeze %dma_start3A_241 : memref<1x128xi32, #tpu.memory_space<vmem>> -> memref<128xi32, #tpu.memory_space<vmem>>
        %dma_start3A_243 = arith.constant 0 : i32
        %dma_start3A_244 = arith.constant 0 : i32
        %dma_start3A_245 = tpu.memref_slice %arg2[%dma_start3A_243, %dma_start3A_244] : memref<10000x128xf32, #tpu.memory_space<hbm>> -> memref<10000x128xf32, #tpu.memory_space<hbm>>
        tpu.enqueue_indirect_dma source(%dma_start3A_245 : memref<10000x128xf32, #tpu.memory_space<hbm>>) target(%arg13 : memref<128x128xf32, #tpu.memory_space<vmem>>) offsets(%dma_start3A_242 : memref<128xi32, #tpu.memory_space<vmem>>) semaphore(%arg19 : memref<!tpu.dma_semaphore, #tpu.memory_space<semaphore_mem>>)
      } else {
      }
      %eq3A_155 = arith.constant 1 : i32
      %eq3A_156 = arith.cmpi eq, %arg0, %eq3A_155 : i32
      %convert_element_type3A_157 = arith.extui %eq3A_156 : i1 to i32
      %cond3A_158 = arith.constant 1 : i32
      %cond3A_159 = arith.constant 0 : i32
      %cond3A_160 = arith.cmpi ne, %convert_element_type3A_157, %cond3A_159 : i32
      scf.if %cond3A_160 {
        %dma_start3A_240 = arith.constant 0 : i32
        %dma_start3A_241 = tpu.memref_slice %arg11[%cond3A_158, %dma_start3A_240] : memref<2x128xi32, #tpu.memory_space<vmem>> -> memref<1x128xi32, #tpu.memory_space<vmem>>
        %dma_start3A_242 = tpu.memref_squeeze %dma_start3A_241 : memref<1x128xi32, #tpu.memory_space<vmem>> -> memref<128xi32, #tpu.memory_space<vmem>>
        %dma_start3A_243 = arith.constant 0 : i32
        %dma_start3A_244 = arith.constant 0 : i32
        %dma_start3A_245 = tpu.memref_slice %arg3[%dma_start3A_243, %dma_start3A_244] : memref<10000x128xf32, #tpu.memory_space<hbm>> -> memref<10000x128xf32, #tpu.memory_space<hbm>>
        tpu.enqueue_indirect_dma source(%dma_start3A_245 : memref<10000x128xf32, #tpu.memory_space<hbm>>) target(%arg13 : memref<128x128xf32, #tpu.memory_space<vmem>>) offsets(%dma_start3A_242 : memref<128xi32, #tpu.memory_space<vmem>>) semaphore(%arg19 : memref<!tpu.dma_semaphore, #tpu.memory_space<semaphore_mem>>)
      } else {
      }
      tpu.wait_dma2 semaphore(%arg19 : memref<!tpu.dma_semaphore, #tpu.memory_space<semaphore_mem>>) src(%arg7 : memref<128x128xf32, #tpu.memory_space<hbm>>) dst(%arg13 : memref<128x128xf32, #tpu.memory_space<vmem>>)
      %add3A_161 = arith.constant 1 : i32
      %add3A_162 = arith.addi %add3A_142, %add3A_161 : i32
      %dma_start3A_163 = arith.constant 0 : i32
      %dma_start3A_164 = tpu.memref_slice %arg14[%add3A_162, %dma_start3A_163] : memref<80x128xi32, #tpu.memory_space<vmem>> -> memref<1x128xi32, #tpu.memory_space<vmem>>
      %dma_start3A_165 = tpu.memref_squeeze %dma_start3A_164 : memref<1x128xi32, #tpu.memory_space<vmem>> -> memref<128xi32, #tpu.memory_space<vmem>>
      %dma_start3A_166 = arith.constant 0 : i32
      %dma_start3A_167 = arith.constant 0 : i32
      %dma_start3A_168 = tpu.memref_slice %arg15[%dma_start3A_166, %dma_start3A_167] : memref<10112x128xf32, #tpu.memory_space<vmem_shared>> -> memref<10112x128xf32, #tpu.memory_space<vmem_shared>>
      tpu.enqueue_indirect_dma source(%arg13 : memref<128x128xf32, #tpu.memory_space<vmem>>) target(%dma_start3A_168 : memref<10112x128xf32, #tpu.memory_space<vmem_shared>>) offsets(%dma_start3A_165 : memref<128xi32, #tpu.memory_space<vmem>>) semaphore(%arg21 : memref<!tpu.dma_semaphore, #tpu.memory_space<semaphore_mem>>) {add = true}
      %dma_wait3A_169 = arith.constant 0 : i32
      %dma_wait3A_170 = arith.constant 0 : i32
      %dma_wait3A_171 = arith.constant 0 : i32
      %dma_wait3A_172 = tpu.memref_slice %arg4[%arg1, %dma_wait3A_169, %dma_wait3A_170, %dma_wait3A_171] : memref<16x40x2x128xi32, #tpu.memory_space<hbm>> -> memref<1x1x2x128xi32, #tpu.memory_space<hbm>>
      %dma_wait3A_173 = tpu.memref_squeeze %dma_wait3A_172 : memref<1x1x2x128xi32, #tpu.memory_space<hbm>> -> memref<2x128xi32, #tpu.memory_space<hbm>>
      %dma_wait3A_174 = arith.constant 0 : i32
      %dma_wait3A_175 = arith.constant 0 : i32
      %dma_wait3A_176 = tpu.memref_slice %arg4[%arg1, %dma_wait3A_169, %dma_wait3A_174, %dma_wait3A_175] : memref<16x40x2x128xi32, #tpu.memory_space<hbm>> -> memref<1x1x2x128xi32, #tpu.memory_space<hbm>>
      %dma_wait3A_177 = tpu.memref_squeeze %dma_wait3A_176 : memref<1x1x2x128xi32, #tpu.memory_space<hbm>> -> memref<2x128xi32, #tpu.memory_space<hbm>>
      tpu.wait_dma2 semaphore(%arg16 : memref<!tpu.dma_semaphore, #tpu.memory_space<semaphore_mem>>) src(%dma_wait3A_177 : memref<2x128xi32, #tpu.memory_space<hbm>>) dst(%arg10 : memref<2x128xi32, #tpu.memory_space<vmem>>)
      tpu.wait_dma2 semaphore(%arg20 : memref<!tpu.dma_semaphore, #tpu.memory_space<semaphore_mem>>) src(%arg7 : memref<128x128xf32, #tpu.memory_space<hbm>>) dst(%arg12 : memref<128x128xf32, #tpu.memory_space<vmem>>)
      %eq3A_178 = arith.constant 0 : i32
      %eq3A_179 = arith.cmpi eq, %arg0, %eq3A_178 : i32
      %convert_element_type3A_180 = arith.extui %eq3A_179 : i1 to i32
      %cond3A_181 = arith.constant 0 : i32
      %cond3A_182 = arith.constant 0 : i32
      %cond3A_183 = arith.cmpi ne, %convert_element_type3A_180, %cond3A_182 : i32
      scf.if %cond3A_183 {
        %dma_start3A_240 = arith.constant 0 : i32
        %dma_start3A_241 = tpu.memref_slice %arg10[%cond3A_181, %dma_start3A_240] : memref<2x128xi32, #tpu.memory_space<vmem>> -> memref<1x128xi32, #tpu.memory_space<vmem>>
        %dma_start3A_242 = tpu.memref_squeeze %dma_start3A_241 : memref<1x128xi32, #tpu.memory_space<vmem>> -> memref<128xi32, #tpu.memory_space<vmem>>
        %dma_start3A_243 = arith.constant 0 : i32
        %dma_start3A_244 = arith.constant 0 : i32
        %dma_start3A_245 = tpu.memref_slice %arg2[%dma_start3A_243, %dma_start3A_244] : memref<10000x128xf32, #tpu.memory_space<hbm>> -> memref<10000x128xf32, #tpu.memory_space<hbm>>
        tpu.enqueue_indirect_dma source(%dma_start3A_245 : memref<10000x128xf32, #tpu.memory_space<hbm>>) target(%arg12 : memref<128x128xf32, #tpu.memory_space<vmem>>) offsets(%dma_start3A_242 : memref<128xi32, #tpu.memory_space<vmem>>) semaphore(%arg18 : memref<!tpu.dma_semaphore, #tpu.memory_space<semaphore_mem>>)
      } else {
      }
      %eq3A_184 = arith.constant 1 : i32
      %eq3A_185 = arith.cmpi eq, %arg0, %eq3A_184 : i32
      %convert_element_type3A_186 = arith.extui %eq3A_185 : i1 to i32
      %cond3A_187 = arith.constant 0 : i32
      %cond3A_188 = arith.constant 0 : i32
      %cond3A_189 = arith.cmpi ne, %convert_element_type3A_186, %cond3A_188 : i32
      scf.if %cond3A_189 {
        %dma_start3A_240 = arith.constant 0 : i32
        %dma_start3A_241 = tpu.memref_slice %arg10[%cond3A_187, %dma_start3A_240] : memref<2x128xi32, #tpu.memory_space<vmem>> -> memref<1x128xi32, #tpu.memory_space<vmem>>
        %dma_start3A_242 = tpu.memref_squeeze %dma_start3A_241 : memref<1x128xi32, #tpu.memory_space<vmem>> -> memref<128xi32, #tpu.memory_space<vmem>>
        %dma_start3A_243 = arith.constant 0 : i32
        %dma_start3A_244 = arith.constant 0 : i32
        %dma_start3A_245 = tpu.memref_slice %arg3[%dma_start3A_243, %dma_start3A_244] : memref<10000x128xf32, #tpu.memory_space<hbm>> -> memref<10000x128xf32, #tpu.memory_space<hbm>>
        tpu.enqueue_indirect_dma source(%dma_start3A_245 : memref<10000x128xf32, #tpu.memory_space<hbm>>) target(%arg12 : memref<128x128xf32, #tpu.memory_space<vmem>>) offsets(%dma_start3A_242 : memref<128xi32, #tpu.memory_space<vmem>>) semaphore(%arg18 : memref<!tpu.dma_semaphore, #tpu.memory_space<semaphore_mem>>)
      } else {
      }
      %add3A_190 = arith.constant 4 : i32
      %add3A_191 = arith.addi %add3A_142, %add3A_190 : i32
      %jit3A_192 = arith.constant 2 : i32
      %div3A_193 = arith.divsi %add3A_191, %jit3A_192 : i32
      %sign3A_194 = arith.constant 0 : i32
      %sign3A_195 = arith.cmpi sgt, %add3A_191, %sign3A_194 : i32
      %sign3A_196 = arith.extui %sign3A_195 : i1 to i32
      %sign3A_197 = arith.constant 0 : i32
      %sign3A_198 = arith.cmpi slt, %add3A_191, %sign3A_197 : i32
      %sign3A_199 = arith.extui %sign3A_198 : i1 to i32
      %sign3A_200 = arith.subi %sign3A_196, %sign3A_199 : i32
      %sign3A_201 = arith.constant 0 : i32
      %sign3A_202 = arith.cmpi sgt, %jit3A_192, %sign3A_201 : i32
      %sign3A_203 = arith.extui %sign3A_202 : i1 to i32
      %sign3A_204 = arith.constant 0 : i32
      %sign3A_205 = arith.cmpi slt, %jit3A_192, %sign3A_204 : i32
      %sign3A_206 = arith.extui %sign3A_205 : i1 to i32
      %sign3A_207 = arith.subi %sign3A_203, %sign3A_206 : i32
      %ne3A_208 = arith.cmpi ne, %sign3A_200, %sign3A_207 : i32
      %rem3A_209 = arith.remsi %add3A_191, %jit3A_192 : i32
      %ne3A_210 = arith.constant 0 : i32
      %ne3A_211 = arith.cmpi ne, %rem3A_209, %ne3A_210 : i32
      %and3A_212 = arith.andi %ne3A_208, %ne3A_211 : i1
      %sub3A_213 = arith.constant 1 : i32
      %sub3A_214 = arith.subi %div3A_193, %sub3A_213 : i32
      %select_n3A_215 = arith.select %and3A_212, %sub3A_214, %div3A_193 : i32
      %jit3A_216 = arith.constant 40 : i32
      %eq3A_217 = arith.constant 0 : i32
      %eq3A_218 = arith.cmpi eq, %jit3A_216, %eq3A_217 : i32
      %jit3A_219 = arith.constant 1 : i32
      %select_n3A_220 = arith.select %eq3A_218, %jit3A_219, %jit3A_216 : i32
      %rem3A_221 = arith.remsi %select_n3A_215, %select_n3A_220 : i32
      %ne3A_222 = arith.constant 0 : i32
      %ne3A_223 = arith.cmpi ne, %rem3A_221, %ne3A_222 : i32
      %lt3A_224 = arith.constant 0 : i32
      %lt3A_225 = arith.cmpi slt, %rem3A_221, %lt3A_224 : i32
      %lt3A_226 = arith.constant 0 : i32
      %lt3A_227 = arith.cmpi slt, %select_n3A_220, %lt3A_226 : i32
      %ne3A_228 = arith.xori %lt3A_225, %lt3A_227 : i1
      %and3A_229 = arith.andi %ne3A_228, %ne3A_223 : i1
      %add3A_230 = arith.addi %rem3A_221, %select_n3A_220 : i32
      %select_n3A_231 = arith.select %and3A_229, %add3A_230, %rem3A_221 : i32
      %dma_start3A_232 = arith.constant 0 : i32
      %dma_start3A_233 = arith.constant 0 : i32
      %dma_start3A_234 = tpu.memref_slice %arg4[%arg1, %select_n3A_231, %dma_start3A_232, %dma_start3A_233] : memref<16x40x2x128xi32, #tpu.memory_space<hbm>> -> memref<1x1x2x128xi32, #tpu.memory_space<hbm>>
      %dma_start3A_235 = tpu.memref_squeeze %dma_start3A_234 : memref<1x1x2x128xi32, #tpu.memory_space<hbm>> -> memref<2x128xi32, #tpu.memory_space<hbm>>
      %dma_start3A_236 = arith.constant 0 : i32
      %dma_start3A_237 = arith.constant 0 : i32
      %dma_start3A_238 = tpu.memref_slice %arg4[%arg1, %select_n3A_231, %dma_start3A_236, %dma_start3A_237] : memref<16x40x2x128xi32, #tpu.memory_space<hbm>> -> memref<1x1x2x128xi32, #tpu.memory_space<hbm>>
      %dma_start3A_239 = tpu.memref_squeeze %dma_start3A_238 : memref<1x1x2x128xi32, #tpu.memory_space<hbm>> -> memref<2x128xi32, #tpu.memory_space<hbm>>
      tpu.enqueue_dma source(%dma_start3A_239 : memref<2x128xi32, #tpu.memory_space<hbm>>) target(%arg11 : memref<2x128xi32, #tpu.memory_space<vmem>>) target_semaphore(%arg17 : memref<!tpu.dma_semaphore, #tpu.memory_space<semaphore_mem>>)
    }
    %scan3A_29 = arith.constant 20 : i32
    tpu.wait_dma2 semaphore(%arg21 : memref<!tpu.dma_semaphore, #tpu.memory_space<semaphore_mem>>) src(%arg7 : memref<128x128xf32, #tpu.memory_space<hbm>>) dst(%arg13 : memref<128x128xf32, #tpu.memory_space<vmem>>)
    tpu.wait_dma2 semaphore(%arg18 : memref<!tpu.dma_semaphore, #tpu.memory_space<semaphore_mem>>) src(%arg7 : memref<128x128xf32, #tpu.memory_space<hbm>>) dst(%arg12 : memref<128x128xf32, #tpu.memory_space<vmem>>)
    %dma_wait3A = arith.constant 0 : i32
    %dma_wait3A_30 = arith.constant 0 : i32
    %dma_wait3A_31 = arith.constant 0 : i32
    %dma_wait3A_32 = tpu.memref_slice %arg4[%arg1, %dma_wait3A, %dma_wait3A_30, %dma_wait3A_31] : memref<16x40x2x128xi32, #tpu.memory_space<hbm>> -> memref<1x1x2x128xi32, #tpu.memory_space<hbm>>
    %dma_wait3A_33 = tpu.memref_squeeze %dma_wait3A_32 : memref<1x1x2x128xi32, #tpu.memory_space<hbm>> -> memref<2x128xi32, #tpu.memory_space<hbm>>
    %dma_wait3A_34 = arith.constant 0 : i32
    %dma_wait3A_35 = arith.constant 0 : i32
    %dma_wait3A_36 = tpu.memref_slice %arg4[%arg1, %dma_wait3A, %dma_wait3A_34, %dma_wait3A_35] : memref<16x40x2x128xi32, #tpu.memory_space<hbm>> -> memref<1x1x2x128xi32, #tpu.memory_space<hbm>>
    %dma_wait3A_37 = tpu.memref_squeeze %dma_wait3A_36 : memref<1x1x2x128xi32, #tpu.memory_space<hbm>> -> memref<2x128xi32, #tpu.memory_space<hbm>>
    tpu.wait_dma2 semaphore(%arg17 : memref<!tpu.dma_semaphore, #tpu.memory_space<semaphore_mem>>) src(%dma_wait3A_37 : memref<2x128xi32, #tpu.memory_space<hbm>>) dst(%arg11 : memref<2x128xi32, #tpu.memory_space<vmem>>)
    %barrier3A_38 = arith.constant 0 : index
    tpu.barrier barrier_id(%barrier3A_38)
    %mul3A_39 = arith.constant 632 : i32
    %mul3A_40 = arith.muli %arg1, %mul3A_39 : i32
    %eq3A_41 = arith.constant 0 : i32
    %eq3A_42 = arith.cmpi eq, %arg0, %eq3A_41 : i32
    %convert_element_type3A_43 = arith.extui %eq3A_42 : i1 to i32
    %cond3A_44 = arith.constant 0 : i32
    %cond3A_45 = arith.cmpi ne, %convert_element_type3A_43, %cond3A_44 : i32
    scf.if %cond3A_45 {
      "tpu.region"() ({
        %run_scoped3A_51 = tpu.sem_alloc : memref<!tpu.dma_semaphore, #tpu.memory_space<semaphore_mem>>
        %dma_start3A_52 = arith.constant 0 : i32
        %dma_start3A_53 = tpu.memref_slice %arg8[%mul3A_40, %dma_start3A_52] : memref<10112x128xf32, #tpu.memory_space<hbm>> -> memref<632x128xf32, #tpu.memory_space<hbm>>
        %dma_start3A_54 = arith.constant 0 : i32
        %dma_start3A_55 = tpu.memref_slice %arg15[%mul3A_40, %dma_start3A_54] : memref<10112x128xf32, #tpu.memory_space<vmem_shared>> -> memref<632x128xf32, #tpu.memory_space<vmem_shared>>
        tpu.enqueue_dma source(%dma_start3A_55 : memref<632x128xf32, #tpu.memory_space<vmem_shared>>) target(%dma_start3A_53 : memref<632x128xf32, #tpu.memory_space<hbm>>) target_semaphore(%run_scoped3A_51 : memref<!tpu.dma_semaphore, #tpu.memory_space<semaphore_mem>>)
        %dma_wait3A_56 = arith.constant 0 : i32
        %dma_wait3A_57 = tpu.memref_slice %arg8[%mul3A_40, %dma_wait3A_56] : memref<10112x128xf32, #tpu.memory_space<hbm>> -> memref<632x128xf32, #tpu.memory_space<hbm>>
        %dma_wait3A_58 = arith.constant 0 : i32
        %dma_wait3A_59 = tpu.memref_slice %arg15[%mul3A_40, %dma_wait3A_58] : memref<10112x128xf32, #tpu.memory_space<vmem_shared>> -> memref<632x128xf32, #tpu.memory_space<vmem_shared>>
        tpu.wait_dma2 semaphore(%run_scoped3A_51 : memref<!tpu.dma_semaphore, #tpu.memory_space<semaphore_mem>>) src(%dma_wait3A_59 : memref<632x128xf32, #tpu.memory_space<vmem_shared>>) dst(%dma_wait3A_57 : memref<632x128xf32, #tpu.memory_space<hbm>>)
        tpu.yield
      }) : () -> ()
    } else {
    }
    %eq3A_46 = arith.constant 1 : i32
    %eq3A_47 = arith.cmpi eq, %arg0, %eq3A_46 : i32
    %convert_element_type3A_48 = arith.extui %eq3A_47 : i1 to i32
    %cond3A_49 = arith.constant 0 : i32
    %cond3A_50 = arith.cmpi ne, %convert_element_type3A_48, %cond3A_49 : i32
    scf.if %cond3A_50 {
      "tpu.region"() ({
        %run_scoped3A_51 = tpu.sem_alloc : memref<!tpu.dma_semaphore, #tpu.memory_space<semaphore_mem>>
        %dma_start3A_52 = arith.constant 0 : i32
        %dma_start3A_53 = tpu.memref_slice %arg9[%mul3A_40, %dma_start3A_52] : memref<10112x128xf32, #tpu.memory_space<hbm>> -> memref<632x128xf32, #tpu.memory_space<hbm>>
        %dma_start3A_54 = arith.constant 0 : i32
        %dma_start3A_55 = tpu.memref_slice %arg15[%mul3A_40, %dma_start3A_54] : memref<10112x128xf32, #tpu.memory_space<vmem_shared>> -> memref<632x128xf32, #tpu.memory_space<vmem_shared>>
        tpu.enqueue_dma source(%dma_start3A_55 : memref<632x128xf32, #tpu.memory_space<vmem_shared>>) target(%dma_start3A_53 : memref<632x128xf32, #tpu.memory_space<hbm>>) target_semaphore(%run_scoped3A_51 : memref<!tpu.dma_semaphore, #tpu.memory_space<semaphore_mem>>)
        %dma_wait3A_56 = arith.constant 0 : i32
        %dma_wait3A_57 = tpu.memref_slice %arg9[%mul3A_40, %dma_wait3A_56] : memref<10112x128xf32, #tpu.memory_space<hbm>> -> memref<632x128xf32, #tpu.memory_space<hbm>>
        %dma_wait3A_58 = arith.constant 0 : i32
        %dma_wait3A_59 = tpu.memref_slice %arg15[%mul3A_40, %dma_wait3A_58] : memref<10112x128xf32, #tpu.memory_space<vmem_shared>> -> memref<632x128xf32, #tpu.memory_space<vmem_shared>>
        tpu.wait_dma2 semaphore(%run_scoped3A_51 : memref<!tpu.dma_semaphore, #tpu.memory_space<semaphore_mem>>) src(%dma_wait3A_59 : memref<632x128xf32, #tpu.memory_space<vmem_shared>>) dst(%dma_wait3A_57 : memref<632x128xf32, #tpu.memory_space<hbm>>)
        tpu.yield
      }) : () -> ()
    } else {
    }
    return
  }
}

module attributes {stable_mosaic.version = 14 : i64} {
  func.func @_mm_pre1_body(%arg0: i32, %arg1: memref<1000x256xf32, #tpu.memory_space<vmem>>, %arg2: memref<256x256xf32, #tpu.memory_space<vmem>>, %arg3: memref<1x256xf32, #tpu.memory_space<vmem>>, %arg4: memref<1000x256xf32, #tpu.memory_space<vmem>>) attributes {dimension_semantics = [#tpu.dimension_semantics<arbitrary>], iteration_bounds = array<i64: 10>, scalar_prefetch = 0 : i64, scratch_operands = 0 : i64, tpu.core_type = #tpu.core_type<tc>, window_params = [{transform_indices = @transform_0, window_bounds = array<i64: 1000, 256>}, {pipeline_mode = #tpu.pipeline_mode<synchronous>, transform_indices = @transform_1, window_bounds = array<i64: 256, 256>}, {pipeline_mode = #tpu.pipeline_mode<synchronous>, transform_indices = @transform_2, window_bounds = array<i64: 1, 256>}, {transform_indices = @transform_3, window_bounds = array<i64: 1000, 256>}]} {
    %get3A = arith.constant 0 : index
    %get3A_0 = arith.constant 0 : index
    %get3A_1 = vector.load %arg1[%get3A, %get3A_0] : memref<1000x256xf32, #tpu.memory_space<vmem>>, vector<1000x256xf32>
    %get3A_2 = arith.constant 0 : index
    %get3A_3 = arith.constant 0 : index
    %get3A_4 = vector.load %arg2[%get3A_2, %get3A_3] : memref<256x256xf32, #tpu.memory_space<vmem>>, vector<256x256xf32>
    %dot_general3A = arith.constant dense<0.000000e+00> : vector<1000x256xf32>
    %dot_general3A_5 = tpu.matmul %get3A_1, %get3A_4, %dot_general3A {dimension_numbers = #tpu.dot_dimension_numbers<[1], [0], [0], [1], [0, 0, 1, 1], [], []>, transpose_lhs_hint = false} : vector<1000x256xf32>, vector<256x256xf32>, vector<1000x256xf32> -> vector<1000x256xf32>
    %get3A_6 = arith.constant 0 : index
    %get3A_7 = arith.constant 0 : index
    %get3A_8 = vector.load %arg3[%get3A_6, %get3A_7] : memref<1x256xf32, #tpu.memory_space<vmem>>, vector<1x256xf32>
    %add3A = vector.broadcast %get3A_8 : vector<1x256xf32> to vector<1000x256xf32>
    %add3A_9 = arith.addf %dot_general3A_5, %add3A : vector<1000x256xf32>
    %swap3A = arith.constant 0 : index
    %swap3A_10 = arith.constant 0 : index
    %swap3A_11 = vector.load %arg4[%swap3A, %swap3A_10] : memref<1000x256xf32, #tpu.memory_space<vmem>>, vector<1000x256xf32>
    tpu.vector_store %arg4[%swap3A, %swap3A_10], %add3A_9 {strides = array<i32>} : memref<1000x256xf32, #tpu.memory_space<vmem>>, vector<1000x256xf32>,
    return
  }
  func.func @transform_0(%arg0: i32) -> (i32, i32) {
    %c0_i32 = arith.constant 0 : i32
    %c0_i32_0 = arith.constant 0 : i32
    return %arg0, %c0_i32 : i32, i32
  }
  func.func @transform_1(%arg0: i32) -> (i32, i32) {
    %c0_i32 = arith.constant 0 : i32
    %c0_i32_0 = arith.constant 0 : i32
    %c0_i32_1 = arith.constant 0 : i32
    return %c0_i32, %c0_i32_0 : i32, i32
  }
  func.func @transform_2(%arg0: i32) -> (i32, i32) {
    %c0_i32 = arith.constant 0 : i32
    %c0_i32_0 = arith.constant 0 : i32
    %c0_i32_1 = arith.constant 0 : i32
    return %c0_i32, %c0_i32_0 : i32, i32
  }
  func.func @transform_3(%arg0: i32) -> (i32, i32) {
    %c0_i32 = arith.constant 0 : i32
    %c0_i32_0 = arith.constant 0 : i32
    return %arg0, %c0_i32 : i32, i32
  }
}

module attributes {stable_mosaic.version = 14 : i64} {
  func.func @_mm_mid_body(%arg0: i32, %arg1: memref<1000x128xf32, #tpu.memory_space<vmem>>, %arg2: memref<1000x128xf32, #tpu.memory_space<vmem>>, %arg3: memref<1000x256xf32, #tpu.memory_space<vmem>>, %arg4: memref<256x256xf32, #tpu.memory_space<vmem>>, %arg5: memref<1000x256xf32, #tpu.memory_space<vmem>>, %arg6: memref<256x256xf32, #tpu.memory_space<vmem>>, %arg7: memref<1x256xf32, #tpu.memory_space<vmem>>, %arg8: memref<1000x128xf32, #tpu.memory_space<vmem>>, %arg9: memref<1000x128xf32, #tpu.memory_space<vmem>>, %arg10: memref<1000x256xf32, #tpu.memory_space<vmem>>) attributes {dimension_semantics = [#tpu.dimension_semantics<arbitrary>], iteration_bounds = array<i64: 10>, scalar_prefetch = 0 : i64, scratch_operands = 0 : i64, tpu.core_type = #tpu.core_type<tc>, window_params = [{transform_indices = @transform_0, window_bounds = array<i64: 1000, 128>}, {transform_indices = @transform_1, window_bounds = array<i64: 1000, 128>}, {transform_indices = @transform_2, window_bounds = array<i64: 1000, 256>}, {pipeline_mode = #tpu.pipeline_mode<synchronous>, transform_indices = @transform_3, window_bounds = array<i64: 256, 256>}, {transform_indices = @transform_4, window_bounds = array<i64: 1000, 256>}, {pipeline_mode = #tpu.pipeline_mode<synchronous>, transform_indices = @transform_5, window_bounds = array<i64: 256, 256>}, {pipeline_mode = #tpu.pipeline_mode<synchronous>, transform_indices = @transform_6, window_bounds = array<i64: 1, 256>}, {transform_indices = @transform_7, window_bounds = array<i64: 1000, 128>}, {transform_indices = @transform_8, window_bounds = array<i64: 1000, 128>}, {transform_indices = @transform_9, window_bounds = array<i64: 1000, 256>}]} {
    %get3A = arith.constant 0 : index
    %get3A_0 = arith.constant 0 : index
    %get3A_1 = vector.load %arg1[%get3A, %get3A_0] : memref<1000x128xf32, #tpu.memory_space<vmem>>, vector<1000x128xf32>
    %get3A_2 = arith.constant 0 : index
    %get3A_3 = arith.constant 0 : index
    %get3A_4 = vector.load %arg4[%get3A_2, %get3A_3] : memref<256x256xf32, #tpu.memory_space<vmem>>, vector<128x256xf32>
    %dot_general3A = arith.constant dense<0.000000e+00> : vector<1000x256xf32>
    %dot_general3A_5 = tpu.matmul %get3A_1, %get3A_4, %dot_general3A {dimension_numbers = #tpu.dot_dimension_numbers<[1], [0], [0], [1], [0, 0, 1, 1], [], []>, transpose_lhs_hint = false} : vector<1000x128xf32>, vector<128x256xf32>, vector<1000x256xf32> -> vector<1000x256xf32>
    %get3A_6 = arith.constant 0 : index
    %get3A_7 = arith.constant 0 : index
    %get3A_8 = vector.load %arg2[%get3A_6, %get3A_7] : memref<1000x128xf32, #tpu.memory_space<vmem>>, vector<1000x128xf32>
    %get3A_9 = arith.constant 128 : index
    %get3A_10 = arith.constant 0 : index
    %get3A_11 = vector.load %arg4[%get3A_9, %get3A_10] : memref<256x256xf32, #tpu.memory_space<vmem>>, vector<128x256xf32>
    %dot_general3A_12 = arith.constant dense<0.000000e+00> : vector<1000x256xf32>
    %dot_general3A_13 = tpu.matmul %get3A_8, %get3A_11, %dot_general3A_12 {dimension_numbers = #tpu.dot_dimension_numbers<[1], [0], [0], [1], [0, 0, 1, 1], [], []>, transpose_lhs_hint = false} : vector<1000x128xf32>, vector<128x256xf32>, vector<1000x256xf32> -> vector<1000x256xf32>
    %add3A = arith.addf %dot_general3A_5, %dot_general3A_13 : vector<1000x256xf32>
    %get3A_14 = arith.constant 0 : index
    %get3A_15 = arith.constant 0 : index
    %get3A_16 = vector.load %arg3[%get3A_14, %get3A_15] : memref<1000x256xf32, #tpu.memory_space<vmem>>, vector<1000x256xf32>
    %add3A_17 = arith.addf %add3A, %get3A_16 : vector<1000x256xf32>
    %slice3A = vector.extract_strided_slice %add3A_17 {offsets = [0, 0], sizes = [1000, 128], strides = [1, 1]} : vector<1000x256xf32> to vector<1000x128xf32>
    %swap3A = arith.constant 0 : index
    %swap3A_18 = arith.constant 0 : index
    %swap3A_19 = vector.load %arg8[%swap3A, %swap3A_18] : memref<1000x128xf32, #tpu.memory_space<vmem>>, vector<1000x128xf32>
    tpu.vector_store %arg8[%swap3A, %swap3A_18], %slice3A {strides = array<i32>} : memref<1000x128xf32, #tpu.memory_space<vmem>>, vector<1000x128xf32>,
    %slice3A_20 = vector.extract_strided_slice %add3A_17 {offsets = [0, 128], sizes = [1000, 128], strides = [1, 1]} : vector<1000x256xf32> to vector<1000x128xf32>
    %swap3A_21 = arith.constant 0 : index
    %swap3A_22 = arith.constant 0 : index
    %swap3A_23 = vector.load %arg9[%swap3A_21, %swap3A_22] : memref<1000x128xf32, #tpu.memory_space<vmem>>, vector<1000x128xf32>
    tpu.vector_store %arg9[%swap3A_21, %swap3A_22], %slice3A_20 {strides = array<i32>} : memref<1000x128xf32, #tpu.memory_space<vmem>>, vector<1000x128xf32>,
    %get3A_24 = arith.constant 0 : index
    %get3A_25 = arith.constant 0 : index
    %get3A_26 = vector.load %arg6[%get3A_24, %get3A_25] : memref<256x256xf32, #tpu.memory_space<vmem>>, vector<256x256xf32>
    %dot_general3A_27 = arith.constant dense<0.000000e+00> : vector<1000x256xf32>
    %dot_general3A_28 = tpu.matmul %add3A_17, %get3A_26, %dot_general3A_27 {dimension_numbers = #tpu.dot_dimension_numbers<[1], [0], [0], [1], [0, 0, 1, 1], [], []>, transpose_lhs_hint = false} : vector<1000x256xf32>, vector<256x256xf32>, vector<1000x256xf32> -> vector<1000x256xf32>
    %get3A_29 = arith.constant 0 : index
    %get3A_30 = arith.constant 0 : index
    %get3A_31 = vector.load %arg7[%get3A_29, %get3A_30] : memref<1x256xf32, #tpu.memory_space<vmem>>, vector<1x256xf32>
    %add3A_32 = vector.broadcast %get3A_31 : vector<1x256xf32> to vector<1000x256xf32>
    %add3A_33 = arith.addf %dot_general3A_28, %add3A_32 : vector<1000x256xf32>
    %get3A_34 = arith.constant 0 : index
    %get3A_35 = arith.constant 0 : index
    %get3A_36 = vector.load %arg5[%get3A_34, %get3A_35] : memref<1000x256xf32, #tpu.memory_space<vmem>>, vector<1000x256xf32>
    %add3A_37 = arith.addf %add3A_33, %get3A_36 : vector<1000x256xf32>
    %swap3A_38 = arith.constant 0 : index
    %swap3A_39 = arith.constant 0 : index
    %swap3A_40 = vector.load %arg10[%swap3A_38, %swap3A_39] : memref<1000x256xf32, #tpu.memory_space<vmem>>, vector<1000x256xf32>
    tpu.vector_store %arg10[%swap3A_38, %swap3A_39], %add3A_37 {strides = array<i32>} : memref<1000x256xf32, #tpu.memory_space<vmem>>, vector<1000x256xf32>,
    return
  }
  func.func @transform_0(%arg0: i32) -> (i32, i32) {
    %c0_i32 = arith.constant 0 : i32
    %c0_i32_0 = arith.constant 0 : i32
    return %arg0, %c0_i32 : i32, i32
  }
  func.func @transform_1(%arg0: i32) -> (i32, i32) {
    %c0_i32 = arith.constant 0 : i32
    %c0_i32_0 = arith.constant 0 : i32
    return %arg0, %c0_i32 : i32, i32
  }
  func.func @transform_2(%arg0: i32) -> (i32, i32) {
    %c0_i32 = arith.constant 0 : i32
    %c0_i32_0 = arith.constant 0 : i32
    return %arg0, %c0_i32 : i32, i32
  }
  func.func @transform_3(%arg0: i32) -> (i32, i32) {
    %c0_i32 = arith.constant 0 : i32
    %c0_i32_0 = arith.constant 0 : i32
    %c0_i32_1 = arith.constant 0 : i32
    return %c0_i32, %c0_i32_0 : i32, i32
  }
  func.func @transform_4(%arg0: i32) -> (i32, i32) {
    %c0_i32 = arith.constant 0 : i32
    %c0_i32_0 = arith.constant 0 : i32
    return %arg0, %c0_i32 : i32, i32
  }
  func.func @transform_5(%arg0: i32) -> (i32, i32) {
    %c0_i32 = arith.constant 0 : i32
    %c0_i32_0 = arith.constant 0 : i32
    %c0_i32_1 = arith.constant 0 : i32
    return %c0_i32, %c0_i32_0 : i32, i32
  }
  func.func @transform_6(%arg0: i32) -> (i32, i32) {
    %c0_i32 = arith.constant 0 : i32
    %c0_i32_0 = arith.constant 0 : i32
    %c0_i32_1 = arith.constant 0 : i32
    return %c0_i32, %c0_i32_0 : i32, i32
  }
  func.func @transform_7(%arg0: i32) -> (i32, i32) {
    %c0_i32 = arith.constant 0 : i32
    %c0_i32_0 = arith.constant 0 : i32
    return %arg0, %c0_i32 : i32, i32
  }
  func.func @transform_8(%arg0: i32) -> (i32, i32) {
    %c0_i32 = arith.constant 0 : i32
    %c0_i32_0 = arith.constant 0 : i32
    return %arg0, %c0_i32 : i32, i32
  }
  func.func @transform_9(%arg0: i32) -> (i32, i32) {
    %c0_i32 = arith.constant 0 : i32
    %c0_i32_0 = arith.constant 0 : i32
    return %arg0, %c0_i32 : i32, i32
  }
}

module attributes {stable_mosaic.version = 14 : i64} {
  func.func @_mm_post2_body(%arg0: i32, %arg1: memref<1000x128xf32, #tpu.memory_space<vmem>>, %arg2: memref<1000x128xf32, #tpu.memory_space<vmem>>, %arg3: memref<1000x256xf32, #tpu.memory_space<vmem>>, %arg4: memref<256x256xf32, #tpu.memory_space<vmem>>, %arg5: memref<1000x256xf32, #tpu.memory_space<vmem>>) attributes {dimension_semantics = [#tpu.dimension_semantics<arbitrary>], iteration_bounds = array<i64: 10>, scalar_prefetch = 0 : i64, scratch_operands = 0 : i64, tpu.core_type = #tpu.core_type<tc>, window_params = [{transform_indices = @transform_0, window_bounds = array<i64: 1000, 128>}, {transform_indices = @transform_1, window_bounds = array<i64: 1000, 128>}, {transform_indices = @transform_2, window_bounds = array<i64: 1000, 256>}, {pipeline_mode = #tpu.pipeline_mode<synchronous>, transform_indices = @transform_3, window_bounds = array<i64: 256, 256>}, {transform_indices = @transform_4, window_bounds = array<i64: 1000, 256>}]} {
    %get3A = arith.constant 0 : index
    %get3A_0 = arith.constant 0 : index
    %get3A_1 = vector.load %arg1[%get3A, %get3A_0] : memref<1000x128xf32, #tpu.memory_space<vmem>>, vector<1000x128xf32>
    %get3A_2 = arith.constant 0 : index
    %get3A_3 = arith.constant 0 : index
    %get3A_4 = vector.load %arg4[%get3A_2, %get3A_3] : memref<256x256xf32, #tpu.memory_space<vmem>>, vector<128x256xf32>
    %dot_general3A = arith.constant dense<0.000000e+00> : vector<1000x256xf32>
    %dot_general3A_5 = tpu.matmul %get3A_1, %get3A_4, %dot_general3A {dimension_numbers = #tpu.dot_dimension_numbers<[1], [0], [0], [1], [0, 0, 1, 1], [], []>, transpose_lhs_hint = false} : vector<1000x128xf32>, vector<128x256xf32>, vector<1000x256xf32> -> vector<1000x256xf32>
    %get3A_6 = arith.constant 0 : index
    %get3A_7 = arith.constant 0 : index
    %get3A_8 = vector.load %arg2[%get3A_6, %get3A_7] : memref<1000x128xf32, #tpu.memory_space<vmem>>, vector<1000x128xf32>
    %get3A_9 = arith.constant 128 : index
    %get3A_10 = arith.constant 0 : index
    %get3A_11 = vector.load %arg4[%get3A_9, %get3A_10] : memref<256x256xf32, #tpu.memory_space<vmem>>, vector<128x256xf32>
    %dot_general3A_12 = arith.constant dense<0.000000e+00> : vector<1000x256xf32>
    %dot_general3A_13 = tpu.matmul %get3A_8, %get3A_11, %dot_general3A_12 {dimension_numbers = #tpu.dot_dimension_numbers<[1], [0], [0], [1], [0, 0, 1, 1], [], []>, transpose_lhs_hint = false} : vector<1000x128xf32>, vector<128x256xf32>, vector<1000x256xf32> -> vector<1000x256xf32>
    %add3A = arith.addf %dot_general3A_5, %dot_general3A_13 : vector<1000x256xf32>
    %get3A_14 = arith.constant 0 : index
    %get3A_15 = arith.constant 0 : index
    %get3A_16 = vector.load %arg3[%get3A_14, %get3A_15] : memref<1000x256xf32, #tpu.memory_space<vmem>>, vector<1000x256xf32>
    %add3A_17 = arith.addf %get3A_16, %add3A : vector<1000x256xf32>
    %mul3A = arith.constant 5.000000e-01 : f32
    %mul3A_18 = vector.broadcast %mul3A : f32 to vector<1000x256xf32>
    %mul3A_19 = arith.mulf %add3A_17, %mul3A_18 : vector<1000x256xf32>
    %swap3A = arith.constant 0 : index
    %swap3A_20 = arith.constant 0 : index
    %swap3A_21 = vector.load %arg5[%swap3A, %swap3A_20] : memref<1000x256xf32, #tpu.memory_space<vmem>>, vector<1000x256xf32>
    tpu.vector_store %arg5[%swap3A, %swap3A_20], %mul3A_19 {strides = array<i32>} : memref<1000x256xf32, #tpu.memory_space<vmem>>, vector<1000x256xf32>,
    return
  }
  func.func @transform_0(%arg0: i32) -> (i32, i32) {
    %c0_i32 = arith.constant 0 : i32
    %c0_i32_0 = arith.constant 0 : i32
    return %arg0, %c0_i32 : i32, i32
  }
  func.func @transform_1(%arg0: i32) -> (i32, i32) {
    %c0_i32 = arith.constant 0 : i32
    %c0_i32_0 = arith.constant 0 : i32
    return %arg0, %c0_i32 : i32, i32
  }
  func.func @transform_2(%arg0: i32) -> (i32, i32) {
    %c0_i32 = arith.constant 0 : i32
    %c0_i32_0 = arith.constant 0 : i32
    return %arg0, %c0_i32 : i32, i32
  }
  func.func @transform_3(%arg0: i32) -> (i32, i32) {
    %c0_i32 = arith.constant 0 : i32
    %c0_i32_0 = arith.constant 0 : i32
    %c0_i32_1 = arith.constant 0 : i32
    return %c0_i32, %c0_i32_0 : i32, i32
  }
  func.func @transform_4(%arg0: i32) -> (i32, i32) {
    %c0_i32 = arith.constant 0 : i32
    %c0_i32_0 = arith.constant 0 : i32
    return %arg0, %c0_i32 : i32, i32
  }
}

</mosaic_0001>

<sc_bundles>
// kernel: kernel.10.cloned.1.call-start
scs
__scs_entry_jumppad:
0x0: {  	(pc) =	sbr.rel $0x88, $3  }
0x1: {  	(tag) =	ssettag $0x0;
	lr =	simm.s32 $0x1  }
0x2: {  	[smem:$0x3F99] =	sst lr;
	_ =	strace $0xD0000000  }
0x3: {  	_ = 	snop  }
0x4: {  	_ = 	snop  }
0x5: {  	_ = 	snop  }
0x6: {  	_ = 	snop  }
0x7: {  	_ = 	snop  }
__scs_overlays_trampoline_lowered:
0x8: {  	[smem:$0x3FA8] =	sst s0  }
0x9: {  	[smem:$0x3FA9] =	sst s1  }
0xa: {  	[smem:$0x3FAA] =	sst s2  }
0xb: {  	[smem:$0x3FAB] =	sst s3  }
0xc: {  	[smem:$0x3FAC] =	sst s4  }
0xd: {  	[smem:$0x3FAD] =	sst s5  }
0xe: {  	[smem:$0x3FAE] =	sst s6  }
0xf: {  	[smem:$0x3FAF] =	sst s7  }
0x10: {  	[smem:$0x3FB0] =	sst s8  }
0x11: {  	[smem:$0x3FB1] =	sst s9;
	s0 =	simm.s32 @!p0 $0x0  }
0x12: {  	s1 =	sld [smem:$0x3F97];
	s0 =	simm.s32 @p0 $0x1  }
0x13: {  	[smem:$0x3FB2] =	sst s0;
	s0 =	simm.s32 @!p1 $0x0  }
0x14: {  	s2 =	sld [smem:$0x3F96];
	s0 =	simm.s32 @p1 $0x1  }
0x15: {  	[smem:$0x3FB3] =	sst s0;
	s0 =	simm.s32 @!p2 $0x0  }
0x16: {  	s3 =	sld [smem:$0x3FDB];
	s0 =	simm.s32 @p2 $0x1  }
0x17: {  	s4 =	simm.s32 $0x1BF5;
	[smem:$0x3FB5] =	sst s0  }
0x18: {  	s0 =	sld [smem:$0x3F98];
	_ =	swait.ge [sflag:s4], $0x0  }
0x19: {  	s7 =	sld [smem:$0x3F99]  }
0x1a: {  	s8 =	sadd.s32 $0xFFFFE003, lr  }
0x1b: {  	s9 =	sadd.s32 $0xFFFFFEF7, lr;
	s5 =	simm.s32 $0xFFFFFFFF;
	p2 =	slt.u32 s8, $0xFFFFF086  }
0x1c: {  	p1 =	slt.u32 s9, $0xF7A;
	s5 =	simm.s32 @!p2 $0x0  }
0x1d: {  	s5 =	simm.s32 @p1 $0x1;
	p0 =	seq.s32 s7, s2  }
0x1e: {  	s7 =	smul.u32 @!p0 $0xF7A, s2;
	p2 =	seq.s32 @!p0 s5, $0x0  }
0x1f: {  	s9 =	smul.u32 $0xF7A, s1;
	s8 =	simm.s32 @!p0 $0x1BF5;
	p2 =	por !p2, p0  }
0x20: {  	[sflag:s8] =	ssyncset.s32 @!p0 $0xFFFFF086;
	s6 =	sadd.s32 @!p0 s3, s7;
	s7 =	simm.s32 @!p0 $0x108  }
0x21: {  	s3 =	sadd.s32 s3, s9;
	s6 =	sadd.s32 @!p0 $0x88, s6;
	s7 =	simm.s32 @p2 $0x1082  }
0x22: {  	[simem:s7], [sflag:s8] =	dma.local @!p0 [hbm:s6], $0xF7A  }
0x23: {  	s9 =	sor.u32 $0xD0000000, s2;
	s6 =	simm.s32 $0x108;
	_ =	swait.ge @!p0 [sflag:s8], $0x0  }
0x24: {  	s3 =	sadd.s32 $0x88, s3;
	s6 =	simm.s32 @!p1 $0x1082;
	[sflag:s4] =	ssyncset.s32 $0xFFFFF086  }
0x25: {  	[simem:s6], [sflag:s4] =	dma.local [hbm:s3], $0xF7A  }
0x26: {  	[smem:$0x3F99] =	sst s1;
	(tag) =	ssettag s2;
	_ =	strace s9  }
0x27: {  	s1 =	sld [smem:$0x3FA9]  }
0x28: {  	s2 =	sld [smem:$0x3FAA]  }
0x29: {  	s4 =	sld [smem:$0x3FAC]  }
0x2a: {  	p0 =	seq.s32 s5, $0x0;
	s5 =	sld [smem:$0x3FAD]  }
0x2b: {  	s6 =	sld [smem:$0x3FAE]  }
0x2c: {  	s7 =	sld [smem:$0x3FAF]  }
0x2d: {  	s3 =	simm.s32 $0x108;
	s8 =	sld [smem:$0x3FB0]  }
0x2e: {  	s3 =	simm.s32 @!p0 $0x1082;
	s9 =	sld [smem:$0x3FB1]  }
0x2f: {  	lr =	sadd.s32 s0, s3;
	s0 =	sld [smem:$0x3FA8]  }
0x30: {  	s3 =	sld [smem:$0x3FAB]  }
0x31: {  	[smem:$0x3FB4] =	sst s10  }
0x32: {  	s10 =	sld [smem:$0x3FB2];
	_ =	sdelay $0x3  }
0x33: {  	p0 =	seq.s32 s10, $0x1;
	s10 =	sld [smem:$0x3FB4];
	_ =	sdelay $0x3  }
0x34: {  	[smem:$0x3FB4] =	sst s10  }
0x35: {  	s10 =	sld [smem:$0x3FB3];
	_ =	sdelay $0x3  }
0x36: {  	p1 =	seq.s32 s10, $0x1;
	s10 =	sld [smem:$0x3FB4];
	_ =	sdelay $0x3  }
0x37: {  	[smem:$0x3FB4] =	sst s10  }
0x38: {  	s10 =	sld [smem:$0x3FB5]  }
0x39: {  	_ = 	snop;
	(pc) =	sbr.ind lr, $3  }
0x3a: {  	_ = 	snop  }
0x3b: {  	_ = 	snop  }
0x3c: {  	p2 =	seq.s32 s10, $0x1;
	s10 =	sld [smem:$0x3FB4]  }
0x3d: {  	_ =	shalt  }
0x3e: {  	_ =	shalt  }
0x3f: {  	_ =	shalt  }
0x40: {  	_ =	shalt  }
0x41: {  	_ =	shalt  }
0x42: {  	_ =	shalt  }
0x43: {  	_ =	shalt  }
0x44: {  	_ =	shalt  }
0x45: {  	_ =	shalt  }
0x46: {  	_ =	shalt  }
0x47: {  	_ =	shalt  }
0x48: {  	_ =	shalt  }
0x49: {  	_ =	shalt  }
0x4a: {  	_ =	shalt  }
0x4b: {  	_ =	shalt  }
0x4c: {  	_ =	shalt  }
0x4d: {  	_ =	shalt  }
0x4e: {  	_ =	shalt  }
0x4f: {  	_ =	shalt  }
0x50: {  	_ =	shalt  }
0x51: {  	_ =	shalt  }
0x52: {  	_ =	shalt  }
0x53: {  	_ =	shalt  }
0x54: {  	_ =	shalt  }
0x55: {  	_ =	shalt  }
0x56: {  	_ =	shalt  }
0x57: {  	_ =	shalt  }
0x58: {  	_ =	shalt  }
0x59: {  	_ =	shalt  }
0x5a: {  	_ =	shalt  }
0x5b: {  	_ =	shalt  }
0x5c: {  	_ =	shalt  }
0x5d: {  	_ =	shalt  }
0x5e: {  	_ =	shalt  }
0x5f: {  	_ =	shalt  }
0x60: {  	_ =	shalt  }
0x61: {  	_ =	shalt  }
0x62: {  	_ =	shalt  }
0x63: {  	_ =	shalt  }
0x64: {  	_ =	shalt  }
0x65: {  	_ =	shalt  }
0x66: {  	_ =	shalt  }
0x67: {  	_ =	shalt  }
0x68: {  	_ =	shalt  }
0x69: {  	_ =	shalt  }
0x6a: {  	_ =	shalt  }
0x6b: {  	_ =	shalt  }
0x6c: {  	_ =	shalt  }
0x6d: {  	_ =	shalt  }
0x6e: {  	_ =	shalt  }
0x6f: {  	_ =	shalt  }
0x70: {  	_ =	shalt  }
0x71: {  	_ =	shalt  }
0x72: {  	_ =	shalt  }
0x73: {  	_ =	shalt  }
0x74: {  	_ =	shalt  }
0x75: {  	_ =	shalt  }
0x76: {  	_ =	shalt  }
0x77: {  	_ =	shalt  }
0x78: {  	_ =	shalt  }
0x79: {  	_ =	shalt  }
0x7a: {  	_ =	shalt  }
0x7b: {  	_ =	shalt  }
0x7c: {  	_ =	shalt  }
0x7d: {  	_ =	shalt  }
0x7e: {  	_ =	shalt  }
0x7f: {  	_ =	shalt  }
0x80: {  	_ =	shalt  }
0x81: {  	_ =	shalt  }
0x82: {  	_ =	shalt  }
0x83: {  	_ =	shalt  }
0x84: {  	_ =	shalt  }
0x85: {  	_ =	shalt  }
0x86: {  	_ =	shalt  }
0x87: {  	_ =	shalt  }
.Lfunc_end0:
.L_simem_size_0:
called_computation.1_lowered:
.L_overlay_start_0:
0x88: {  	s2 =	sld [smem:$0x3FD9]  }
0x89: {  	s3 =	sld [smem:$0x3FFE];
	_ =	sdelay $0x1  }
0x8a: {  	s1 =	srdreg.scid  }
0x8b: {  	s0 =	sand.u32 $0x1, s1  }
0x8c: {  	s17 =	sshll.u32 s0, $0xA;
	s2 =	sadd.s32 s3, s2  }
0x8d: {  	s2 =	sadd.s32 s2, s17  }
0x8e: {  	[smem:$0x3FC0] =	sst s2  }
0x8f: {  	_ = 	snop  }
0x90: {  	s2 =	sld [smem:$0x3FD0];
	(tm) =	ssettm $0x1  }
0x91: {  	s18 =	sld [smem:$0x3FFB];
	_ =	sdelay $0x3  }
0x92: {  	_ =	strace s18  }
0x93: {  	s3 =	sld [smem:$0x3FFC];
	_ =	sdelay $0x3  }
0x94: {  	_ =	strace s3  }
0x95: {  	s3 =	sld [smem:$0x3FFD];
	_ =	sdelay $0x3  }
0x96: {  	_ =	strace s3  }
0x97: {  	_ =	strace $0x8FFFFFFF  }
0x98: {  	s19 =	sld [smem:$0x3FDB];
	_ =	sdelay $0x1  }
0x99: {  	s4 =	simm.s32 $_scs_section_size  }
0x9a: {  	s5 =	simm.s32 $_size__tile_overlayer_lowered;
	s6 =	simm.s32 $_tile_overlayer_lowered  }
0x9b: {  	s22 =	simm.s32 $0x1BFF;
	s21 =	sshll.u32 s6, $0x1;
	s3 =	sadd.s32 s4, s19  }
0x9c: {  	s7 =	simm.s32 $0x0;
	s20 =	sshll.u32 s5, $0x1;
	s5 =	sadd.s32 s21, s3  }
0x9d: {  	[timem:s7], [sflag:s22] =	dma.local [hbm:s5], s20  }
0x9e: {  	_ =	swait.ge [sflag:s22], s20  }
0x9f: {  	s4 =	ssub.s32 $0x0, s20;
	[sflag:s22] =	ssyncset.done $0x0  }
0xa0: {  	[sflag:s22] =	ssyncadd.s32 s4;
	_ =	sdelay $0x1  }
0xa1: {  	s23 =	simm.s32 $0x1B8B  }
0xa2: {  	_ =	swait.ge [sflag:s23], $0x1  }
0xa3: {  	[sflag:s23] =	ssyncset.done $0x0  }
0xa4: {  	s25 =	simm.s32 $0x1B8E;
	s24 =	sld [smem:$0x3FFE];
	[sflag:s23] =	ssyncadd.s32 $0xFFFFFFFF  }
0xa5: {  	s26 =	simm.s32 $execute0_lowered;
	[smem:$0x3FD2] =	sst s25  }
0xa6: {  	s5 =	sshll.u32 s26, $0x1;
	_ =	strace $0x80000049;
	[dreg:$0x1] =	wrdreg $0xFFFFFFFF  }
0xa7: {  	s28 =	simm.s32 $_size_execute0_lowered;
	s3 =	sadd.s32 s3, s5;
	[dreg:$0x0] =	wrdreg $0x0  }
0xa8: {  	s5 =	sshll.u32 s28, $0x1;
	[dreg:$0x2] =	wrdreg s3  }
0xa9: {  	[dreg:$0x3] =	wrdreg s5  }
0xaa: {  	[dreg:$0x4] =	wrdreg $0xC0  }
0xab: {  	_ =	task [dreg:s7], $0x5FFFF  }
0xac: {  	[dreg:$0x1] =	wrdreg $0xFFFFFFFF  }
0xad: {  	[dreg:$0x0] =	wrdreg $0x60  }
0xae: {  	[dreg:$0x2] =	wrdreg s24  }
0xaf: {  	[dreg:$0x3] =	wrdreg s2  }
0xb0: {  	[dreg:$0x4] =	wrdreg $0xAA000  }
0xb1: {  	[dreg:$0x5] =	wrdreg $0x9  }
0xb2: {  	_ =	task.clear_ibuf [dreg:s7], $0x6FFFF;
	_ =	strace $0x90000049  }
0xb3: {  	s29 =	simm.s32 $0x9;
	_ =	strace $0x8000004B  }
0xb4: {  	_ =	swait.ge [sflag:s29], $0x1  }
0xb5: {  	[sflag:s29] =	ssyncadd.s32 $0xFFFFFFFF  }
0xb6: {  	_ =	strace $0x9000004B  }
0xb7: {  	_ =	sfence  }
0xb8: {  	s30 =	sld [smem:$0x0];
	_ =	sdelay $0x2  }
0xb9: {  	s31 =	sshll.u32 s1, $0xD;
	s1 =	sshrl.u32 s1, $0x2  }
0xba: {  	s3 =	sand.u32 $0x4000, s31;
	s1 =	sadd.s32 s1, s30  }
0xbb: {  	s0 =	sor.u32 s3, s0;
	s1 =	sshll.u32 s1, $0x11  }
0xbc: {  	s0 =	sor.u32 s1, s0  }
0xbd: {  	s0 =	sadd.s32 $0x8F2B, s0  }
0xbe: {  	[sflag:s0] =	ssyncadd.remote.s32 $0x1  }
0xbf: {  	_ =	sfence.sel $0xFFFF  }
0xc0: {  	[dreg:$0x0] =	wrdreg $0xFFFFFFFF;
	(pc) =	sbr.abs _section_cstart, $3  }
0xc1: {  	[dreg:$0x1] =	wrdreg $0xFFFFFFFF  }
0xc2: {  	_ =	task.clear_ibuf [dreg:s7], $0x2FFFF;
	_ =	strace $0x9FFFFFFF  }
0xc3: {  	(tm) =	ssettm $0x7FFFFFFF  }
tec
execute0_lowered:
.L_overlay_start_1:
0x0: {  	(tag) =	ssettag $0x1  }
0x1: {  	s0 =	rddreg [dreg:$0x0]  }
0x2: {  	s1 =	rddreg [dreg:$0x1]  }
0x3: {  	s2 =	rddreg [dreg:$0x2]  }
0x4: {  	s3 =	simm.s32 $0x0;
	s18 =	stileid.u32;
	s22 =	srdreg.scid  }
0x5: {  	s15 =	simm.s32 $0x80;
	s16 =	simm.s32 $0x200;
	s17 =	simm.s32 $0x100  }
0x6: {  	s21 =	simm.s32 $0x3;
	s28 =	simm.s32 $0x1;
	[smem:$0x7FF] =	sst s3  }
0x7: {  	s5 =	smul.u32 $0x2800, s18;
	s11 =	sadd.s32 $0x5E800, s0;
	s4 =	sadd.s32 $0x85A00, s0  }
0x8: {  	s12 =	sadd.s32 $0x8400, s0;
	s9 =	sand.u32 $0x1, s22;
	s14 =	smul.u32 $0x4F000, s18  }
0x9: {  	s23 =	sadd.s32 $0x5C000, s0;
	s6 =	sadd.s32 $0x5B800, s0;
	s25 =	smul.u32 $0x500, s18  }
0xa: {  	s26 =	smul.u32 $0x2780, s18;
	s30 =	sshll.u32 s18, $0x6;
	s18 =	simm.s32 $0x4200  }
0xb: {  	s22 =	simm.s32 $0x6;
	_ =	strace $0x8000004A;
	[dreg:$0x4] =	wrdreg s23  }
0xc: {  	s10 =	ssub.s32 $0x2, s9;
	p0 =	seq.s32 s9, $0x0;
	s19 =	sor.u32 $0x1C07, s30  }
0xd: {  	s23 =	simm.s32 $0x4;
	s8 =	sshrl.u32 s5, $0x3;
	s13 =	sshrl.u32 s10, $0x1  }
0xe: {  	s24 =	sshrl.u32 s14, $0x2;
	s29 =	sadd.s32 s25, s12;
	s4 =	smov.u32 @p0 s11  }
0xf: {  	s14 =	simm.s32 $0x7;
	s25 =	simm.s32 $0x5;
	s7 =	sadd.s32 s8, s0  }
0x10: {  	s0 =	sadd.s32 $0xACC00, s0;
	s10 =	ssub.s32 s10, s13;
	s8 =	sadd.s32 s12, s8  }
0x11: {  	s20 =	sadd.s32 s24, s2;
	s31 =	sadd.s32 $0x60, s29;
	s13 =	simm.s32 $0x8200  }
0x12: {  	s24 =	simm.s32 $0x2;
	s7 =	sadd.s32 $0x3400, s7;
	s9 =	sadd.s32 $0x20, s8  }
0x13: {  	s10 =	smax.u32 s10, $0x1;
	s0 =	smov.u32 @p0 s1;
	s20 =	sshrl.u32 s20, $0x3  }
0x14: {  	s1 =	simm.s32 $0x0;
	s11 =	sadd.s32 s0, s26;
	s26 =	simm.s32 $0x180  }
.LBB2_1:
0x15: {  	[tilespmem:s13], [sflag:$0x7] =	stream.linear.gather [hbm4b:s7+s3], $0x2800, $0x38;
	[tilespmem:$0x1E600] =	vst v63  }
0x16: {  	_ =	swait.ge [sflag:s14], $0x2800  }
0x17: {  	[sflag:s14] =	ssyncset.done $0x0  }
0x18: {  	[sflag:s14] =	ssyncadd.s32 $0xFFFFD800  }
0x19: {  	[tilespmem:s3], [sflag:$0x7] =	stream.linear.gather [hbm4b:s8+s3], $0x100, $0x38;
	[tilespmem:$0x1E600] =	vst v63  }
0x1a: {  	_ =	swait.ge [sflag:s14], $0x100  }
0x1b: {  	[sflag:s14] =	ssyncset.done $0x0  }
0x1c: {  	[sflag:s14] =	ssyncadd.s32 $0xFFFFFF00  }
0x1d: {  	[tilespmem:s16], [sflag:$0x3] =	stream.indirect.gather [hbm4b:s4+s15], $0x80, s3, s15, $0xb8;
	[tilespmem:$0x1E600] =	vst v63  }
0x1e: {  	_ = 	snop  }
0x1f: {  	[tilespmem:s17], [sflag:$0x2] =	stream.linear.gather [hbm4b:s9+s3], $0x100, $0x38;
	[tilespmem:$0x1E600] =	vst v63  }
0x20: {  	_ = 	snop  }
0x21: {  	[tilespmem:s18], [sflag:$0x7] =	stream.linear.gather [hbm4b:s6+s3], $0x4000, $0x38;
	[tilespmem:$0x1E600] =	vst v63  }
0x22: {  	_ =	swait.ge [sflag:s14], $0x4000  }
0x23: {  	[sflag:s14] =	ssyncset.done $0x0  }
0x24: {  	s0 =	rddreg [dreg:$0x4];
	[sflag:s14] =	ssyncadd.s32 $0xFFFFC000  }
0x25: {  	[spmem:s20], [sflag:s19] =	dma.local [hbm:s0], $0x2780  }
0x26: {  	_ =	swait.ge [sflag:s14], $0x2780  }
0x27: {  	[sflag:s14] =	ssyncset.done $0x0  }
0x28: {  	[sflag:s14] =	ssyncadd.s32 $0xFFFFD880  }
0x29: {  	[bflag:$0x0] =	sbarrier.arrive $0xFFFF  }
0x2a: {  	[spmem:s2] =	stream.indirect.scatter.add.f32 [tilespmem:s18], [sflag:$0x6], $0x80, s13, s15, $0xb8;
	[tilespmem:$0x1E600] =	vst v63  }
0x2b: {  	_ =	swait.ge [sflag:s21], $0x4000  }
0x2c: {  	[sflag:s21] =	ssyncset.done $0x0  }
0x2d: {  	s12 =	simm.s32 $0x8200;
	[sflag:s21] =	ssyncadd.s32 $0xFFFFC000  }
0x2e: {  	[spmem:s2] =	stream.indirect.scatter.add.f32 [tilespmem:s16], [sflag:$0x5], $0x80, s12, s15, $0xb8;
	[tilespmem:$0x1E600] =	vst v63  }
0x2f: {  	_ =	swait.ge [sflag:s22], $0x4000  }
0x30: {  	[sflag:s22] =	ssyncset.done $0x0  }
0x31: {  	[sflag:s22] =	ssyncadd.s32 $0xFFFFC000  }
0x32: {  	[tilespmem:s18], [sflag:$0x4] =	stream.indirect.gather [hbm4b:s4+s15], $0x80, s15, s15, $0xb8;
	[tilespmem:$0x1E600] =	vst v63  }
0x33: {  	_ =	swait.ge [sflag:s23], $0x4000  }
0x34: {  	[sflag:s23] =	ssyncset.done $0x0  }
0x35: {  	s5 =	simm.s32 $0x8280;
	[sflag:s23] =	ssyncadd.s32 $0xFFFFC000  }
0x36: {  	[spmem:s2] =	stream.indirect.scatter.add.f32 [tilespmem:s18], [sflag:$0x6], $0x80, s5, s15, $0xb8;
	[tilespmem:$0x1E600] =	vst v63  }
0x37: {  	_ =	swait.ge [sflag:s24], $0x100  }
0x38: {  	[sflag:s24] =	ssyncset.done $0x0  }
0x39: {  	[sflag:s24] =	ssyncadd.s32 $0xFFFFFF00  }
0x3a: {  	_ =	swait.ge [sflag:s25], $0x4000  }
0x3b: {  	[sflag:s25] =	ssyncset.done $0x0  }
0x3c: {  	[sflag:s25] =	ssyncadd.s32 $0xFFFFC000  }
0x3d: {  	[tilespmem:s16], [sflag:$0x3] =	stream.indirect.gather [hbm4b:s4+s15], $0x80, s17, s15, $0xb8;
	[tilespmem:$0x1E600] =	vst v63  }
0x3e: {  	s12 =	sadd.s32 $0xFFFFFFE0, s31  }
0x3f: {  	[tilespmem:s3], [sflag:$0x1] =	stream.linear.gather [hbm4b:s12+s3], $0x100, $0x38;
	[tilespmem:$0x1E600] =	vst v63  }
0x40: {  	_ =	swait.ge [sflag:s21], $0x4000  }
0x41: {  	[sflag:s21] =	ssyncset.done $0x0  }
0x42: {  	s5 =	simm.s32 $0x8300;
	[sflag:s21] =	ssyncadd.s32 $0xFFFFC000  }
0x43: {  	[spmem:s2] =	stream.indirect.scatter.add.f32 [tilespmem:s16], [sflag:$0x5], $0x80, s5, s15, $0xb8;
	[tilespmem:$0x1E600] =	vst v63  }
0x44: {  	_ =	swait.ge [sflag:s22], $0x4000  }
0x45: {  	[sflag:s22] =	ssyncset.done $0x0  }
0x46: {  	[sflag:s22] =	ssyncadd.s32 $0xFFFFC000  }
0x47: {  	[tilespmem:s18], [sflag:$0x4] =	stream.indirect.gather [hbm4b:s4+s15], $0x80, s26, s15, $0xb8;
	[tilespmem:$0x1E600] =	vst v63  }
0x48: {  	_ =	swait.ge [sflag:s23], $0x4000  }
0x49: {  	[sflag:s23] =	ssyncset.done $0x0  }
0x4a: {  	s12 =	simm.s32 $0x8380;
	[sflag:s23] =	ssyncadd.s32 $0xFFFFC000  }
0x4b: {  	[spmem:s2] =	stream.indirect.scatter.add.f32 [tilespmem:s18], [sflag:$0x6], $0x80, s12, s15, $0xb8;
	[tilespmem:$0x1E600] =	vst v63  }
0x4c: {  	_ =	swait.ge [sflag:s28], $0x100  }
0x4d: {  	[sflag:s28] =	ssyncset.done $0x0  }
0x4e: {  	[sflag:s28] =	ssyncadd.s32 $0xFFFFFF00  }
0x4f: {  	_ =	swait.ge [sflag:s25], $0x4000  }
0x50: {  	s29 =	simm.s32 $0x800;
	[sflag:s25] =	ssyncset.done $0x0  }
0x51: {  	s30 =	sadd.s32 $0x40, s31;
	s12 =	smov.u32 s31;
	[sflag:s25] =	ssyncadd.s32 $0xFFFFC000  }
0x52: {  	[tilespmem:s16], [sflag:$0x3] =	stream.indirect.gather [hbm4b:s4+s15], $0x80, s3, s15, $0xb8;
	[tilespmem:$0x1E600] =	vst v63  }
.LBB2_2:
0x53: {  	[tilespmem:s17], [sflag:$0x2] =	stream.linear.gather [hbm4b:s12+s3], $0x100, $0x38;
	[tilespmem:$0x1E600] =	vst v63  }
0x54: {  	s0 =	smov.u32 s29;
	s12 =	smov.u32 s30  }
0x55: {  	p0 =	sne.s32 s29, $0x9000;
	s29 =	sadd.s32 $0x800, s29;
	_ =	swait.ge [sflag:s21], $0x4000  }
0x56: {  	s0 =	sshra.s32 s0, $0x2;
	[sflag:s21] =	ssyncset.done $0x0  }
0x57: {  	s5 =	sadd.s32 $0x8200, s0;
	[sflag:s21] =	ssyncadd.s32 $0xFFFFC000  }
0x58: {  	[spmem:s2] =	stream.indirect.scatter.add.f32 [tilespmem:s16], [sflag:$0x5], $0x80, s5, s15, $0xb8;
	[tilespmem:$0x1E600] =	vst v63  }
0x59: {  	_ =	swait.ge [sflag:s22], $0x4000  }
0x5a: {  	[sflag:s22] =	ssyncset.done $0x0  }
0x5b: {  	[sflag:s22] =	ssyncadd.s32 $0xFFFFC000  }
0x5c: {  	[tilespmem:s18], [sflag:$0x4] =	stream.indirect.gather [hbm4b:s4+s15], $0x80, s15, s15, $0xb8;
	[tilespmem:$0x1E600] =	vst v63  }
0x5d: {  	_ =	swait.ge [sflag:s23], $0x4000  }
0x5e: {  	[sflag:s23] =	ssyncset.done $0x0  }
0x5f: {  	s5 =	sadd.s32 $0x8280, s0;
	[sflag:s23] =	ssyncadd.s32 $0xFFFFC000  }
0x60: {  	[spmem:s2] =	stream.indirect.scatter.add.f32 [tilespmem:s18], [sflag:$0x6], $0x80, s5, s15, $0xb8;
	[tilespmem:$0x1E600] =	vst v63  }
0x61: {  	_ =	swait.ge [sflag:s24], $0x100  }
0x62: {  	[sflag:s24] =	ssyncset.done $0x0  }
0x63: {  	[sflag:s24] =	ssyncadd.s32 $0xFFFFFF00  }
0x64: {  	_ =	swait.ge [sflag:s25], $0x4000  }
0x65: {  	[sflag:s25] =	ssyncset.done $0x0  }
0x66: {  	[sflag:s25] =	ssyncadd.s32 $0xFFFFC000  }
0x67: {  	[tilespmem:s16], [sflag:$0x3] =	stream.indirect.gather [hbm4b:s4+s15], $0x80, s17, s15, $0xb8;
	[tilespmem:$0x1E600] =	vst v63  }
0x68: {  	s5 =	sadd.s32 $0xFFFFFFE0, s30  }
0x69: {  	[tilespmem:s3], [sflag:$0x1] =	stream.linear.gather [hbm4b:s5+s3], $0x100, $0x38;
	[tilespmem:$0x1E600] =	vst v63  }
0x6a: {  	_ =	swait.ge [sflag:s21], $0x4000  }
0x6b: {  	[sflag:s21] =	ssyncset.done $0x0  }
0x6c: {  	s5 =	sadd.s32 $0x8300, s0;
	[sflag:s21] =	ssyncadd.s32 $0xFFFFC000  }
0x6d: {  	[spmem:s2] =	stream.indirect.scatter.add.f32 [tilespmem:s16], [sflag:$0x5], $0x80, s5, s15, $0xb8;
	[tilespmem:$0x1E600] =	vst v63  }
0x6e: {  	_ =	swait.ge [sflag:s22], $0x4000  }
0x6f: {  	[sflag:s22] =	ssyncset.done $0x0  }
0x70: {  	[sflag:s22] =	ssyncadd.s32 $0xFFFFC000  }
0x71: {  	[tilespmem:s18], [sflag:$0x4] =	stream.indirect.gather [hbm4b:s4+s15], $0x80, s26, s15, $0xb8;
	[tilespmem:$0x1E600] =	vst v63  }
0x72: {  	_ =	swait.ge [sflag:s23], $0x4000  }
0x73: {  	[sflag:s23] =	ssyncset.done $0x0  }
0x74: {  	s0 =	sadd.s32 $0x8380, s0;
	[sflag:s23] =	ssyncadd.s32 $0xFFFFC000  }
0x75: {  	[spmem:s2] =	stream.indirect.scatter.add.f32 [tilespmem:s18], [sflag:$0x6], $0x80, s0, s15, $0xb8;
	[tilespmem:$0x1E600] =	vst v63  }
0x76: {  	_ =	swait.ge [sflag:s28], $0x100  }
0x77: {  	[sflag:s28] =	ssyncset.done $0x0  }
0x78: {  	[sflag:s28] =	ssyncadd.s32 $0xFFFFFF00  }
.Ltmp0:
0x79: {  	_ =	swait.ge [sflag:s25], $0x4000;
	(pc) =	sbr.rel @p0 .LBB2_2-.Ltmp0, $4  }
0x7a: {  	[sflag:s25] =	ssyncset.done $0x0  }
0x7b: {  	[sflag:s25] =	ssyncadd.s32 $0xFFFFC000  }
0x7c: {  	[tilespmem:s16], [sflag:$0x3] =	stream.indirect.gather [hbm4b:s4+s15], $0x80, s3, s15, $0xb8;
	[tilespmem:$0x1E600] =	vst v63  }
0x7d: {  	s30 =	sadd.s32 $0x40, s30  }
0x7e: {  	[tilespmem:s17], [sflag:$0x2] =	stream.linear.gather [hbm4b:s12+s3], $0x100, $0x38;
	[tilespmem:$0x1E600] =	vst v63  }
0x7f: {  	_ =	swait.ge [sflag:s21], $0x4000  }
0x80: {  	[sflag:s21] =	ssyncset.done $0x0  }
0x81: {  	s0 =	simm.s32 $0xA800;
	[sflag:s21] =	ssyncadd.s32 $0xFFFFC000  }
0x82: {  	[spmem:s2] =	stream.indirect.scatter.add.f32 [tilespmem:s16], [sflag:$0x5], $0x80, s0, s15, $0xb8;
	[tilespmem:$0x1E600] =	vst v63  }
0x83: {  	_ =	swait.ge [sflag:s22], $0x4000  }
0x84: {  	[sflag:s22] =	ssyncset.done $0x0  }
0x85: {  	[sflag:s22] =	ssyncadd.s32 $0xFFFFC000  }
0x86: {  	[tilespmem:s18], [sflag:$0x4] =	stream.indirect.gather [hbm4b:s4+s15], $0x80, s15, s15, $0xb8;
	[tilespmem:$0x1E600] =	vst v63  }
0x87: {  	_ =	swait.ge [sflag:s23], $0x4000  }
0x88: {  	[sflag:s23] =	ssyncset.done $0x0  }
0x89: {  	s12 =	simm.s32 $0xA880;
	[sflag:s23] =	ssyncadd.s32 $0xFFFFC000  }
0x8a: {  	[spmem:s2] =	stream.indirect.scatter.add.f32 [tilespmem:s18], [sflag:$0x6], $0x80, s12, s15, $0xb8;
	[tilespmem:$0x1E600] =	vst v63  }
0x8b: {  	_ =	swait.ge [sflag:s24], $0x100  }
0x8c: {  	[sflag:s24] =	ssyncset.done $0x0  }
0x8d: {  	[sflag:s24] =	ssyncadd.s32 $0xFFFFFF00  }
0x8e: {  	_ =	swait.ge [sflag:s25], $0x4000  }
0x8f: {  	[sflag:s25] =	ssyncset.done $0x0  }
0x90: {  	[sflag:s25] =	ssyncadd.s32 $0xFFFFC000  }
0x91: {  	[tilespmem:s16], [sflag:$0x3] =	stream.indirect.gather [hbm4b:s4+s15], $0x80, s17, s15, $0xb8;
	[tilespmem:$0x1E600] =	vst v63  }
0x92: {  	_ = 	snop  }
0x93: {  	[tilespmem:s3], [sflag:$0x1] =	stream.linear.gather [hbm4b:s8+s3], $0x100, $0x38;
	[tilespmem:$0x1E600] =	vst v63  }
0x94: {  	_ =	swait.ge [sflag:s21], $0x4000  }
0x95: {  	[sflag:s21] =	ssyncset.done $0x0  }
0x96: {  	s29 =	simm.s32 $0xA900;
	[sflag:s21] =	ssyncadd.s32 $0xFFFFC000  }
0x97: {  	[spmem:s2] =	stream.indirect.scatter.add.f32 [tilespmem:s16], [sflag:$0x5], $0x80, s29, s15, $0xb8;
	[tilespmem:$0x1E600] =	vst v63  }
0x98: {  	_ =	swait.ge [sflag:s22], $0x4000  }
0x99: {  	[sflag:s22] =	ssyncset.done $0x0  }
0x9a: {  	[sflag:s22] =	ssyncadd.s32 $0xFFFFC000  }
0x9b: {  	[tilespmem:s18], [sflag:$0x4] =	stream.indirect.gather [hbm4b:s4+s15], $0x80, s26, s15, $0xb8;
	[tilespmem:$0x1E600] =	vst v63  }
0x9c: {  	_ =	swait.ge [sflag:s23], $0x4000  }
0x9d: {  	[sflag:s23] =	ssyncset.done $0x0  }
0x9e: {  	s30 =	simm.s32 $0xA980;
	[sflag:s23] =	ssyncadd.s32 $0xFFFFC000  }
0x9f: {  	[spmem:s2] =	stream.indirect.scatter.add.f32 [tilespmem:s18], [sflag:$0x6], $0x80, s30, s15, $0xb8;
	[tilespmem:$0x1E600] =	vst v63  }
0xa0: {  	_ =	swait.ge [sflag:s28], $0x100  }
0xa1: {  	[sflag:s28] =	ssyncset.done $0x0  }
0xa2: {  	[sflag:s28] =	ssyncadd.s32 $0xFFFFFF00  }
0xa3: {  	_ =	swait.ge [sflag:s25], $0x4000  }
0xa4: {  	[sflag:s25] =	ssyncset.done $0x0  }
0xa5: {  	[sflag:s25] =	ssyncadd.s32 $0xFFFFC000  }
0xa6: {  	[tilespmem:s16], [sflag:$0x3] =	stream.indirect.gather [hbm4b:s4+s15], $0x80, s3, s15, $0xb8;
	[tilespmem:$0x1E600] =	vst v63  }
0xa7: {  	_ = 	snop  }
0xa8: {  	[tilespmem:s17], [sflag:$0x2] =	stream.linear.gather [hbm4b:s9+s3], $0x100, $0x38;
	[tilespmem:$0x1E600] =	vst v63  }
0xa9: {  	_ =	swait.ge [sflag:s22], $0x4000  }
0xaa: {  	[sflag:s22] =	ssyncset.done $0x0  }
0xab: {  	[sflag:s22] =	ssyncadd.s32 $0xFFFFC000  }
0xac: {  	_ =	swait.ge [sflag:s21], $0x4000  }
0xad: {  	[sflag:s21] =	ssyncset.done $0x0  }
0xae: {  	[sflag:s21] =	ssyncadd.s32 $0xFFFFC000  }
0xaf: {  	_ =	swait.ge [sflag:s24], $0x100  }
0xb0: {  	s1 =	sadd.s32 $0x1, s1;
	[sflag:s24] =	ssyncset.done $0x0  }
0xb1: {  	p0 =	sne.s32 s1, s10;
	[sflag:s24] =	ssyncadd.s32 $0xFFFFFF00  }
.Ltmp1:
0xb2: {  	[bflag:$0x0] =	sbarrier.arrive $0xFFFF;
	(pc) =	sbr.rel @p0 .LBB2_1-.Ltmp1, $4  }
0xb3: {  	[hbm:s11], [sflag:s19] =	dma.local [spmem:s20], $0x2780  }
0xb4: {  	_ =	swait.ge [sflag:s14], $0x2780  }
0xb5: {  	[sflag:s14] =	ssyncset.done $0x0  }
0xb6: {  	[sflag:s14] =	ssyncadd.s32 $0xFFFFD880  }
0xb7: {  	_ =	sfence.sel $0x180000  }
0xb8: {  	[bflag:$0x0] =	sbarrier.arrive $0xFFFF  }
0xb9: {  	_ =	strace $0x9000004A  }
0xba: {  	s0 =	stileid.u32;
	[bflag:$0x2] =	sbarrier.arrive $0xFFFF  }
0xbb: {  	p0 =	sne.s32 s0, $0x0;
	s0 =	rddreg [dreg:$0x3]  }
0xbc: {  	s0 =	sadd.s32 @!p0 $0x100000, s0  }
0xbd: {  	[sflag:s0] =	ssyncadd.tile.s32 @!p0 $0x1;
	_ =	shalt  }
.Lfunc_end2:
_tile_overlayer_lowered:
.L_overlay_start_2:
0xbe: {  	(tag) =	ssettag $0x2  }
0xbf: {  	s0 =	rddreg [dreg:$0x0];
	s2 =	stileid.u32  }
0xc0: {  	s1 =	rddreg [dreg:$0x1];
	p0 =	sne.s32 s2, $0x0  }
0xc1: {  	s3 =	rddreg [dreg:$0x2];
	[bflag:$0x3] =	sbarrier.arrive $0xFFFF;
	s2 =	simm.s32 @!p0 $0x1C07  }
0xc2: {  	[timem:s3], [sflag:s2] =	dma.local @!p0 [hbm:s0], s1  }
0xc3: {  	s0 =	simm.s32 @!p0 $0x7  }
0xc4: {  	_ =	swait.ge @!p0 [sflag:s0], s1  }
0xc5: {  	s1 =	ssub.s32 @!p0 $0x0, s1;
	[sflag:s0] =	ssyncset.done @!p0 $0x0  }
0xc6: {  	[sflag:s0] =	ssyncadd.s32 @!p0 s1  }
0xc7: {  	[bflag:$0x3] =	sbarrier.arrive $0xFFFF  }
0xc8: {  	_ =	shalt  }

// kernel: kernel.7.cloned.1.call-start
scs
__scs_entry_jumppad:
0x0: {  	(pc) =	sbr.rel $0x88, $3  }
0x1: {  	(tag) =	ssettag $0x0;
	lr =	simm.s32 $0x1  }
0x2: {  	[smem:$0x3F99] =	sst lr;
	_ =	strace $0xD0000000  }
0x3: {  	_ = 	snop  }
0x4: {  	_ = 	snop  }
0x5: {  	_ = 	snop  }
0x6: {  	_ = 	snop  }
0x7: {  	_ = 	snop  }
__scs_overlays_trampoline_lowered:
0x8: {  	[smem:$0x3FA8] =	sst s0  }
0x9: {  	[smem:$0x3FA9] =	sst s1  }
0xa: {  	[smem:$0x3FAA] =	sst s2  }
0xb: {  	[smem:$0x3FAB] =	sst s3  }
0xc: {  	[smem:$0x3FAC] =	sst s4  }
0xd: {  	[smem:$0x3FAD] =	sst s5  }
0xe: {  	[smem:$0x3FAE] =	sst s6  }
0xf: {  	[smem:$0x3FAF] =	sst s7  }
0x10: {  	[smem:$0x3FB0] =	sst s8  }
0x11: {  	[smem:$0x3FB1] =	sst s9;
	s0 =	simm.s32 @!p0 $0x0  }
0x12: {  	s1 =	sld [smem:$0x3F97];
	s0 =	simm.s32 @p0 $0x1  }
0x13: {  	[smem:$0x3FB2] =	sst s0;
	s0 =	simm.s32 @!p1 $0x0  }
0x14: {  	s2 =	sld [smem:$0x3F96];
	s0 =	simm.s32 @p1 $0x1  }
0x15: {  	[smem:$0x3FB3] =	sst s0;
	s0 =	simm.s32 @!p2 $0x0  }
0x16: {  	s3 =	sld [smem:$0x3FDB];
	s0 =	simm.s32 @p2 $0x1  }
0x17: {  	s4 =	simm.s32 $0x1BF5;
	[smem:$0x3FB5] =	sst s0  }
0x18: {  	s0 =	sld [smem:$0x3F98];
	_ =	swait.ge [sflag:s4], $0x0  }
0x19: {  	s7 =	sld [smem:$0x3F99]  }
0x1a: {  	s8 =	sadd.s32 $0xFFFFE003, lr  }
0x1b: {  	s9 =	sadd.s32 $0xFFFFFEF7, lr;
	s5 =	simm.s32 $0xFFFFFFFF;
	p2 =	slt.u32 s8, $0xFFFFF086  }
0x1c: {  	p1 =	slt.u32 s9, $0xF7A;
	s5 =	simm.s32 @!p2 $0x0  }
0x1d: {  	s5 =	simm.s32 @p1 $0x1;
	p0 =	seq.s32 s7, s2  }
0x1e: {  	s7 =	smul.u32 @!p0 $0xF7A, s2;
	p2 =	seq.s32 @!p0 s5, $0x0  }
0x1f: {  	s9 =	smul.u32 $0xF7A, s1;
	s8 =	simm.s32 @!p0 $0x1BF5;
	p2 =	por !p2, p0  }
0x20: {  	[sflag:s8] =	ssyncset.s32 @!p0 $0xFFFFF086;
	s6 =	sadd.s32 @!p0 s3, s7;
	s7 =	simm.s32 @!p0 $0x108  }
0x21: {  	s3 =	sadd.s32 s3, s9;
	s6 =	sadd.s32 @!p0 $0x88, s6;
	s7 =	simm.s32 @p2 $0x1082  }
0x22: {  	[simem:s7], [sflag:s8] =	dma.local @!p0 [hbm:s6], $0xF7A  }
0x23: {  	s9 =	sor.u32 $0xD0000000, s2;
	s6 =	simm.s32 $0x108;
	_ =	swait.ge @!p0 [sflag:s8], $0x0  }
0x24: {  	s3 =	sadd.s32 $0x88, s3;
	s6 =	simm.s32 @!p1 $0x1082;
	[sflag:s4] =	ssyncset.s32 $0xFFFFF086  }
0x25: {  	[simem:s6], [sflag:s4] =	dma.local [hbm:s3], $0xF7A  }
0x26: {  	[smem:$0x3F99] =	sst s1;
	(tag) =	ssettag s2;
	_ =	strace s9  }
0x27: {  	s1 =	sld [smem:$0x3FA9]  }
0x28: {  	s2 =	sld [smem:$0x3FAA]  }
0x29: {  	s4 =	sld [smem:$0x3FAC]  }
0x2a: {  	p0 =	seq.s32 s5, $0x0;
	s5 =	sld [smem:$0x3FAD]  }
0x2b: {  	s6 =	sld [smem:$0x3FAE]  }
0x2c: {  	s7 =	sld [smem:$0x3FAF]  }
0x2d: {  	s3 =	simm.s32 $0x108;
	s8 =	sld [smem:$0x3FB0]  }
0x2e: {  	s3 =	simm.s32 @!p0 $0x1082;
	s9 =	sld [smem:$0x3FB1]  }
0x2f: {  	lr =	sadd.s32 s0, s3;
	s0 =	sld [smem:$0x3FA8]  }
0x30: {  	s3 =	sld [smem:$0x3FAB]  }
0x31: {  	[smem:$0x3FB4] =	sst s10  }
0x32: {  	s10 =	sld [smem:$0x3FB2];
	_ =	sdelay $0x3  }
0x33: {  	p0 =	seq.s32 s10, $0x1;
	s10 =	sld [smem:$0x3FB4];
	_ =	sdelay $0x3  }
0x34: {  	[smem:$0x3FB4] =	sst s10  }
0x35: {  	s10 =	sld [smem:$0x3FB3];
	_ =	sdelay $0x3  }
0x36: {  	p1 =	seq.s32 s10, $0x1;
	s10 =	sld [smem:$0x3FB4];
	_ =	sdelay $0x3  }
0x37: {  	[smem:$0x3FB4] =	sst s10  }
0x38: {  	s10 =	sld [smem:$0x3FB5]  }
0x39: {  	_ = 	snop;
	(pc) =	sbr.ind lr, $3  }
0x3a: {  	_ = 	snop  }
0x3b: {  	_ = 	snop  }
0x3c: {  	p2 =	seq.s32 s10, $0x1;
	s10 =	sld [smem:$0x3FB4]  }
0x3d: {  	_ =	shalt  }
0x3e: {  	_ =	shalt  }
0x3f: {  	_ =	shalt  }
0x40: {  	_ =	shalt  }
0x41: {  	_ =	shalt  }
0x42: {  	_ =	shalt  }
0x43: {  	_ =	shalt  }
0x44: {  	_ =	shalt  }
0x45: {  	_ =	shalt  }
0x46: {  	_ =	shalt  }
0x47: {  	_ =	shalt  }
0x48: {  	_ =	shalt  }
0x49: {  	_ =	shalt  }
0x4a: {  	_ =	shalt  }
0x4b: {  	_ =	shalt  }
0x4c: {  	_ =	shalt  }
0x4d: {  	_ =	shalt  }
0x4e: {  	_ =	shalt  }
0x4f: {  	_ =	shalt  }
0x50: {  	_ =	shalt  }
0x51: {  	_ =	shalt  }
0x52: {  	_ =	shalt  }
0x53: {  	_ =	shalt  }
0x54: {  	_ =	shalt  }
0x55: {  	_ =	shalt  }
0x56: {  	_ =	shalt  }
0x57: {  	_ =	shalt  }
0x58: {  	_ =	shalt  }
0x59: {  	_ =	shalt  }
0x5a: {  	_ =	shalt  }
0x5b: {  	_ =	shalt  }
0x5c: {  	_ =	shalt  }
0x5d: {  	_ =	shalt  }
0x5e: {  	_ =	shalt  }
0x5f: {  	_ =	shalt  }
0x60: {  	_ =	shalt  }
0x61: {  	_ =	shalt  }
0x62: {  	_ =	shalt  }
0x63: {  	_ =	shalt  }
0x64: {  	_ =	shalt  }
0x65: {  	_ =	shalt  }
0x66: {  	_ =	shalt  }
0x67: {  	_ =	shalt  }
0x68: {  	_ =	shalt  }
0x69: {  	_ =	shalt  }
0x6a: {  	_ =	shalt  }
0x6b: {  	_ =	shalt  }
0x6c: {  	_ =	shalt  }
0x6d: {  	_ =	shalt  }
0x6e: {  	_ =	shalt  }
0x6f: {  	_ =	shalt  }
0x70: {  	_ =	shalt  }
0x71: {  	_ =	shalt  }
0x72: {  	_ =	shalt  }
0x73: {  	_ =	shalt  }
0x74: {  	_ =	shalt  }
0x75: {  	_ =	shalt  }
0x76: {  	_ =	shalt  }
0x77: {  	_ =	shalt  }
0x78: {  	_ =	shalt  }
0x79: {  	_ =	shalt  }
0x7a: {  	_ =	shalt  }
0x7b: {  	_ =	shalt  }
0x7c: {  	_ =	shalt  }
0x7d: {  	_ =	shalt  }
0x7e: {  	_ =	shalt  }
0x7f: {  	_ =	shalt  }
0x80: {  	_ =	shalt  }
0x81: {  	_ =	shalt  }
0x82: {  	_ =	shalt  }
0x83: {  	_ =	shalt  }
0x84: {  	_ =	shalt  }
0x85: {  	_ =	shalt  }
0x86: {  	_ =	shalt  }
0x87: {  	_ =	shalt  }
.Lfunc_end0:
.L_simem_size_0:
called_computation_lowered:
.L_overlay_start_0:
0x88: {  	s2 =	sld [smem:$0x3FD9]  }
0x89: {  	s3 =	sld [smem:$0x3FFE];
	_ =	sdelay $0x1  }
0x8a: {  	s1 =	srdreg.scid  }
0x8b: {  	s0 =	sand.u32 $0x1, s1  }
0x8c: {  	s16 =	sshll.u32 s0, $0xA;
	s2 =	sadd.s32 s3, s2  }
0x8d: {  	s2 =	sadd.s32 s2, s16  }
0x8e: {  	[smem:$0x3FC0] =	sst s2  }
0x8f: {  	_ = 	snop  }
0x90: {  	(tm) =	ssettm $0x1  }
0x91: {  	s17 =	sld [smem:$0x3FFB];
	_ =	sdelay $0x3  }
0x92: {  	_ =	strace s17  }
0x93: {  	s2 =	sld [smem:$0x3FFC];
	_ =	sdelay $0x3  }
0x94: {  	_ =	strace s2  }
0x95: {  	s2 =	sld [smem:$0x3FFD];
	_ =	sdelay $0x3  }
0x96: {  	_ =	strace s2  }
0x97: {  	_ =	strace $0x8FFFFFFF  }
0x98: {  	s18 =	sld [smem:$0x3FDB];
	_ =	sdelay $0x1  }
0x99: {  	s19 =	simm.s32 $_scs_section_size  }
0x9a: {  	s4 =	simm.s32 $_size__tile_overlayer_lowered;
	s5 =	simm.s32 $_tile_overlayer_lowered  }
0x9b: {  	s22 =	simm.s32 $0x1BFF;
	s21 =	sshll.u32 s5, $0x1;
	s2 =	sadd.s32 s19, s18  }
0x9c: {  	s6 =	simm.s32 $0x0;
	s20 =	sshll.u32 s4, $0x1;
	s4 =	sadd.s32 s21, s2  }
0x9d: {  	[timem:s6], [sflag:s22] =	dma.local [hbm:s4], s20  }
0x9e: {  	_ =	swait.ge [sflag:s22], s20  }
0x9f: {  	s3 =	ssub.s32 $0x0, s20;
	[sflag:s22] =	ssyncset.done $0x0  }
0xa0: {  	[sflag:s22] =	ssyncadd.s32 s3;
	_ =	sdelay $0x1  }
0xa1: {  	s23 =	simm.s32 $0x1B8B  }
0xa2: {  	_ =	swait.ge [sflag:s23], $0x1  }
0xa3: {  	[sflag:s23] =	ssyncset.done $0x0  }
0xa4: {  	s25 =	simm.s32 $0x1B8E;
	s24 =	sld [smem:$0x3FFE];
	[sflag:s23] =	ssyncadd.s32 $0xFFFFFFFF  }
0xa5: {  	s26 =	simm.s32 $execute0_lowered;
	[smem:$0x3FD2] =	sst s25  }
0xa6: {  	s4 =	sshll.u32 s26, $0x1;
	_ =	strace $0x80000046;
	[dreg:$0x1] =	wrdreg $0xFFFFFFFF  }
0xa7: {  	s28 =	simm.s32 $_size_execute0_lowered;
	s2 =	sadd.s32 s2, s4;
	[dreg:$0x0] =	wrdreg $0x0  }
0xa8: {  	s4 =	sshll.u32 s28, $0x1;
	[dreg:$0x2] =	wrdreg s2  }
0xa9: {  	[dreg:$0x3] =	wrdreg s4  }
0xaa: {  	[dreg:$0x4] =	wrdreg $0xC0  }
0xab: {  	_ =	task [dreg:s6], $0x5FFFF  }
0xac: {  	[dreg:$0x1] =	wrdreg $0xFFFFFFFF  }
0xad: {  	[dreg:$0x0] =	wrdreg $0x60  }
0xae: {  	[dreg:$0x2] =	wrdreg s24  }
0xaf: {  	[dreg:$0x3] =	wrdreg $0xAA000  }
0xb0: {  	[dreg:$0x4] =	wrdreg $0x9  }
0xb1: {  	_ =	task.clear_ibuf [dreg:s6], $0x5FFFF;
	_ =	strace $0x90000046  }
0xb2: {  	s29 =	simm.s32 $0x9;
	_ =	strace $0x80000048  }
0xb3: {  	_ =	swait.ge [sflag:s29], $0x1  }
0xb4: {  	[sflag:s29] =	ssyncadd.s32 $0xFFFFFFFF  }
0xb5: {  	_ =	strace $0x90000048  }
0xb6: {  	_ =	sfence  }
0xb7: {  	s30 =	sld [smem:$0x0];
	_ =	sdelay $0x2  }
0xb8: {  	s31 =	sshll.u32 s1, $0xD;
	s1 =	sshrl.u32 s1, $0x2  }
0xb9: {  	s3 =	sand.u32 $0x4000, s31;
	s1 =	sadd.s32 s1, s30  }
0xba: {  	s0 =	sor.u32 s3, s0;
	s1 =	sshll.u32 s1, $0x11  }
0xbb: {  	s0 =	sor.u32 s1, s0  }
0xbc: {  	s0 =	sadd.s32 $0x8F2B, s0  }
0xbd: {  	[sflag:s0] =	ssyncadd.remote.s32 $0x1  }
0xbe: {  	_ =	sfence.sel $0xFFFF  }
0xbf: {  	[dreg:$0x0] =	wrdreg $0xFFFFFFFF;
	(pc) =	sbr.abs _section_cstart, $3  }
0xc0: {  	[dreg:$0x1] =	wrdreg $0xFFFFFFFF  }
0xc1: {  	_ =	task.clear_ibuf [dreg:s6], $0x2FFFF;
	_ =	strace $0x9FFFFFFF  }
0xc2: {  	(tm) =	ssettm $0x7FFFFFFF  }
0xc3: {  	_ =	shalt  }
tec
execute0_lowered:
.L_overlay_start_1:
0x0: {  	(tag) =	ssettag $0x1  }
0x1: {  	s0 =	rddreg [dreg:$0x0]  }
0x2: {  	s2 =	rddreg [dreg:$0x1];
	s3 =	simm.s32 $0x0  }
0x3: {  	s5 =	stileid.u32;
	s6 =	srdreg.scid;
	s16 =	simm.s32 $0x200  }
0x4: {  	s17 =	simm.s32 $0x100;
	s18 =	simm.s32 $0x4200;
	s21 =	simm.s32 $0x3  }
0x5: {  	s22 =	simm.s32 $0x6;
	s23 =	simm.s32 $0x4;
	s24 =	simm.s32 $0x2  }
0x6: {  	s28 =	simm.s32 $0x1;
	[smem:$0x7FF] =	sst s3;
	s1 =	smul.u32 $0x2800, s5  }
0x7: {  	s11 =	sadd.s32 $0x34600, s0;
	s4 =	sadd.s32 $0xD400, s0;
	s12 =	sadd.s32 $0x8400, s0  }
0x8: {  	s8 =	sadd.s32 $0x5C000, s0;
	s9 =	sand.u32 $0x1, s6;
	s14 =	smul.u32 $0x4F000, s5  }
0x9: {  	s6 =	sadd.s32 $0x5B800, s0;
	s13 =	sadd.s32 $0x5E800, s0;
	s29 =	smul.u32 $0x500, s5  }
0xa: {  	s15 =	smul.u32 $0x2780, s5;
	s30 =	sshll.u32 s5, $0x6;
	_ =	strace $0x80000047  }
0xb: {  	[dreg:$0x3] =	wrdreg s8;
	s25 =	ssub.s32 $0x2, s9;
	p0 =	seq.s32 s9, $0x0  }
0xc: {  	s19 =	sor.u32 $0x1C07, s30;
	s1 =	sshrl.u32 s1, $0x3;
	s10 =	sshrl.u32 s25, $0x1  }
0xd: {  	s26 =	sshrl.u32 s14, $0x2;
	s4 =	smov.u32 @p0 s11;
	s14 =	simm.s32 $0x7  }
0xe: {  	s7 =	sadd.s32 s1, s0;
	s0 =	sadd.s32 $0x86000, s0;
	s10 =	ssub.s32 s25, s10  }
0xf: {  	s8 =	sadd.s32 s12, s1;
	s1 =	sadd.s32 s26, s2;
	s12 =	sadd.s32 s29, s12  }
0x10: {  	s25 =	simm.s32 $0x5;
	s26 =	simm.s32 $0x180;
	s7 =	sadd.s32 $0x3400, s7  }
0x11: {  	s9 =	sadd.s32 $0x20, s8;
	s10 =	smax.u32 s10, $0x1;
	s0 =	smov.u32 @p0 s13  }
0x12: {  	s31 =	sadd.s32 $0x60, s12;
	s13 =	simm.s32 $0x8200;
	s20 =	sshrl.u32 s1, $0x3  }
0x13: {  	s1 =	simm.s32 $0x0;
	s11 =	sadd.s32 s0, s15;
	s15 =	simm.s32 $0x80  }
.LBB2_1:
0x14: {  	[tilespmem:s13], [sflag:$0x7] =	stream.linear.gather [hbm4b:s7+s3], $0x2800, $0x38;
	[tilespmem:$0x1E600] =	vst v63  }
0x15: {  	_ =	swait.ge [sflag:s14], $0x2800  }
0x16: {  	[sflag:s14] =	ssyncset.done $0x0  }
0x17: {  	[sflag:s14] =	ssyncadd.s32 $0xFFFFD800  }
0x18: {  	[tilespmem:s3], [sflag:$0x7] =	stream.linear.gather [hbm4b:s8+s3], $0x100, $0x38;
	[tilespmem:$0x1E600] =	vst v63  }
0x19: {  	_ =	swait.ge [sflag:s14], $0x100  }
0x1a: {  	[sflag:s14] =	ssyncset.done $0x0  }
0x1b: {  	[sflag:s14] =	ssyncadd.s32 $0xFFFFFF00  }
0x1c: {  	[tilespmem:s16], [sflag:$0x3] =	stream.indirect.gather [hbm4b:s4+s15], $0x80, s3, s15, $0xb8;
	[tilespmem:$0x1E600] =	vst v63  }
0x1d: {  	_ = 	snop  }
0x1e: {  	[tilespmem:s17], [sflag:$0x2] =	stream.linear.gather [hbm4b:s9+s3], $0x100, $0x38;
	[tilespmem:$0x1E600] =	vst v63  }
0x1f: {  	_ = 	snop  }
0x20: {  	[tilespmem:s18], [sflag:$0x7] =	stream.linear.gather [hbm4b:s6+s3], $0x4000, $0x38;
	[tilespmem:$0x1E600] =	vst v63  }
0x21: {  	_ =	swait.ge [sflag:s14], $0x4000  }
0x22: {  	[sflag:s14] =	ssyncset.done $0x0  }
0x23: {  	s0 =	rddreg [dreg:$0x3];
	[sflag:s14] =	ssyncadd.s32 $0xFFFFC000  }
0x24: {  	[spmem:s20], [sflag:s19] =	dma.local [hbm:s0], $0x2780  }
0x25: {  	_ =	swait.ge [sflag:s14], $0x2780  }
0x26: {  	[sflag:s14] =	ssyncset.done $0x0  }
0x27: {  	[sflag:s14] =	ssyncadd.s32 $0xFFFFD880  }
0x28: {  	[bflag:$0x0] =	sbarrier.arrive $0xFFFF  }
0x29: {  	[spmem:s2] =	stream.indirect.scatter.add.f32 [tilespmem:s18], [sflag:$0x6], $0x80, s13, s15, $0xb8;
	[tilespmem:$0x1E600] =	vst v63  }
0x2a: {  	_ =	swait.ge [sflag:s21], $0x4000  }
0x2b: {  	[sflag:s21] =	ssyncset.done $0x0  }
0x2c: {  	s12 =	simm.s32 $0x8200;
	[sflag:s21] =	ssyncadd.s32 $0xFFFFC000  }
0x2d: {  	[spmem:s2] =	stream.indirect.scatter.add.f32 [tilespmem:s16], [sflag:$0x5], $0x80, s12, s15, $0xb8;
	[tilespmem:$0x1E600] =	vst v63  }
0x2e: {  	_ =	swait.ge [sflag:s22], $0x4000  }
0x2f: {  	[sflag:s22] =	ssyncset.done $0x0  }
0x30: {  	[sflag:s22] =	ssyncadd.s32 $0xFFFFC000  }
0x31: {  	[tilespmem:s18], [sflag:$0x4] =	stream.indirect.gather [hbm4b:s4+s15], $0x80, s15, s15, $0xb8;
	[tilespmem:$0x1E600] =	vst v63  }
0x32: {  	_ =	swait.ge [sflag:s23], $0x4000  }
0x33: {  	[sflag:s23] =	ssyncset.done $0x0  }
0x34: {  	s5 =	simm.s32 $0x8280;
	[sflag:s23] =	ssyncadd.s32 $0xFFFFC000  }
0x35: {  	[spmem:s2] =	stream.indirect.scatter.add.f32 [tilespmem:s18], [sflag:$0x6], $0x80, s5, s15, $0xb8;
	[tilespmem:$0x1E600] =	vst v63  }
0x36: {  	_ =	swait.ge [sflag:s24], $0x100  }
0x37: {  	[sflag:s24] =	ssyncset.done $0x0  }
0x38: {  	[sflag:s24] =	ssyncadd.s32 $0xFFFFFF00  }
0x39: {  	_ =	swait.ge [sflag:s25], $0x4000  }
0x3a: {  	[sflag:s25] =	ssyncset.done $0x0  }
0x3b: {  	[sflag:s25] =	ssyncadd.s32 $0xFFFFC000  }
0x3c: {  	[tilespmem:s16], [sflag:$0x3] =	stream.indirect.gather [hbm4b:s4+s15], $0x80, s17, s15, $0xb8;
	[tilespmem:$0x1E600] =	vst v63  }
0x3d: {  	s12 =	sadd.s32 $0xFFFFFFE0, s31  }
0x3e: {  	[tilespmem:s3], [sflag:$0x1] =	stream.linear.gather [hbm4b:s12+s3], $0x100, $0x38;
	[tilespmem:$0x1E600] =	vst v63  }
0x3f: {  	_ =	swait.ge [sflag:s21], $0x4000  }
0x40: {  	[sflag:s21] =	ssyncset.done $0x0  }
0x41: {  	s5 =	simm.s32 $0x8300;
	[sflag:s21] =	ssyncadd.s32 $0xFFFFC000  }
0x42: {  	[spmem:s2] =	stream.indirect.scatter.add.f32 [tilespmem:s16], [sflag:$0x5], $0x80, s5, s15, $0xb8;
	[tilespmem:$0x1E600] =	vst v63  }
0x43: {  	_ =	swait.ge [sflag:s22], $0x4000  }
0x44: {  	[sflag:s22] =	ssyncset.done $0x0  }
0x45: {  	[sflag:s22] =	ssyncadd.s32 $0xFFFFC000  }
0x46: {  	[tilespmem:s18], [sflag:$0x4] =	stream.indirect.gather [hbm4b:s4+s15], $0x80, s26, s15, $0xb8;
	[tilespmem:$0x1E600] =	vst v63  }
0x47: {  	_ =	swait.ge [sflag:s23], $0x4000  }
0x48: {  	[sflag:s23] =	ssyncset.done $0x0  }
0x49: {  	s12 =	simm.s32 $0x8380;
	[sflag:s23] =	ssyncadd.s32 $0xFFFFC000  }
0x4a: {  	[spmem:s2] =	stream.indirect.scatter.add.f32 [tilespmem:s18], [sflag:$0x6], $0x80, s12, s15, $0xb8;
	[tilespmem:$0x1E600] =	vst v63  }
0x4b: {  	_ =	swait.ge [sflag:s28], $0x100  }
0x4c: {  	[sflag:s28] =	ssyncset.done $0x0  }
0x4d: {  	[sflag:s28] =	ssyncadd.s32 $0xFFFFFF00  }
0x4e: {  	_ =	swait.ge [sflag:s25], $0x4000  }
0x4f: {  	s29 =	simm.s32 $0x800;
	[sflag:s25] =	ssyncset.done $0x0  }
0x50: {  	s30 =	sadd.s32 $0x40, s31;
	s12 =	smov.u32 s31;
	[sflag:s25] =	ssyncadd.s32 $0xFFFFC000  }
0x51: {  	[tilespmem:s16], [sflag:$0x3] =	stream.indirect.gather [hbm4b:s4+s15], $0x80, s3, s15, $0xb8;
	[tilespmem:$0x1E600] =	vst v63  }
.LBB2_2:
0x52: {  	[tilespmem:s17], [sflag:$0x2] =	stream.linear.gather [hbm4b:s12+s3], $0x100, $0x38;
	[tilespmem:$0x1E600] =	vst v63  }
0x53: {  	s0 =	smov.u32 s29;
	s12 =	smov.u32 s30  }
0x54: {  	p0 =	sne.s32 s29, $0x9000;
	s29 =	sadd.s32 $0x800, s29;
	_ =	swait.ge [sflag:s21], $0x4000  }
0x55: {  	s0 =	sshra.s32 s0, $0x2;
	[sflag:s21] =	ssyncset.done $0x0  }
0x56: {  	s5 =	sadd.s32 $0x8200, s0;
	[sflag:s21] =	ssyncadd.s32 $0xFFFFC000  }
0x57: {  	[spmem:s2] =	stream.indirect.scatter.add.f32 [tilespmem:s16], [sflag:$0x5], $0x80, s5, s15, $0xb8;
	[tilespmem:$0x1E600] =	vst v63  }
0x58: {  	_ =	swait.ge [sflag:s22], $0x4000  }
0x59: {  	[sflag:s22] =	ssyncset.done $0x0  }
0x5a: {  	[sflag:s22] =	ssyncadd.s32 $0xFFFFC000  }
0x5b: {  	[tilespmem:s18], [sflag:$0x4] =	stream.indirect.gather [hbm4b:s4+s15], $0x80, s15, s15, $0xb8;
	[tilespmem:$0x1E600] =	vst v63  }
0x5c: {  	_ =	swait.ge [sflag:s23], $0x4000  }
0x5d: {  	[sflag:s23] =	ssyncset.done $0x0  }
0x5e: {  	s5 =	sadd.s32 $0x8280, s0;
	[sflag:s23] =	ssyncadd.s32 $0xFFFFC000  }
0x5f: {  	[spmem:s2] =	stream.indirect.scatter.add.f32 [tilespmem:s18], [sflag:$0x6], $0x80, s5, s15, $0xb8;
	[tilespmem:$0x1E600] =	vst v63  }
0x60: {  	_ =	swait.ge [sflag:s24], $0x100  }
0x61: {  	[sflag:s24] =	ssyncset.done $0x0  }
0x62: {  	[sflag:s24] =	ssyncadd.s32 $0xFFFFFF00  }
0x63: {  	_ =	swait.ge [sflag:s25], $0x4000  }
0x64: {  	[sflag:s25] =	ssyncset.done $0x0  }
0x65: {  	[sflag:s25] =	ssyncadd.s32 $0xFFFFC000  }
0x66: {  	[tilespmem:s16], [sflag:$0x3] =	stream.indirect.gather [hbm4b:s4+s15], $0x80, s17, s15, $0xb8;
	[tilespmem:$0x1E600] =	vst v63  }
0x67: {  	s5 =	sadd.s32 $0xFFFFFFE0, s30  }
0x68: {  	[tilespmem:s3], [sflag:$0x1] =	stream.linear.gather [hbm4b:s5+s3], $0x100, $0x38;
	[tilespmem:$0x1E600] =	vst v63  }
0x69: {  	_ =	swait.ge [sflag:s21], $0x4000  }
0x6a: {  	[sflag:s21] =	ssyncset.done $0x0  }
0x6b: {  	s5 =	sadd.s32 $0x8300, s0;
	[sflag:s21] =	ssyncadd.s32 $0xFFFFC000  }
0x6c: {  	[spmem:s2] =	stream.indirect.scatter.add.f32 [tilespmem:s16], [sflag:$0x5], $0x80, s5, s15, $0xb8;
	[tilespmem:$0x1E600] =	vst v63  }
0x6d: {  	_ =	swait.ge [sflag:s22], $0x4000  }
0x6e: {  	[sflag:s22] =	ssyncset.done $0x0  }
0x6f: {  	[sflag:s22] =	ssyncadd.s32 $0xFFFFC000  }
0x70: {  	[tilespmem:s18], [sflag:$0x4] =	stream.indirect.gather [hbm4b:s4+s15], $0x80, s26, s15, $0xb8;
	[tilespmem:$0x1E600] =	vst v63  }
0x71: {  	_ =	swait.ge [sflag:s23], $0x4000  }
0x72: {  	[sflag:s23] =	ssyncset.done $0x0  }
0x73: {  	s0 =	sadd.s32 $0x8380, s0;
	[sflag:s23] =	ssyncadd.s32 $0xFFFFC000  }
0x74: {  	[spmem:s2] =	stream.indirect.scatter.add.f32 [tilespmem:s18], [sflag:$0x6], $0x80, s0, s15, $0xb8;
	[tilespmem:$0x1E600] =	vst v63  }
0x75: {  	_ =	swait.ge [sflag:s28], $0x100  }
0x76: {  	[sflag:s28] =	ssyncset.done $0x0  }
0x77: {  	[sflag:s28] =	ssyncadd.s32 $0xFFFFFF00  }
.Ltmp0:
0x78: {  	_ =	swait.ge [sflag:s25], $0x4000;
	(pc) =	sbr.rel @p0 .LBB2_2-.Ltmp0, $4  }
0x79: {  	[sflag:s25] =	ssyncset.done $0x0  }
0x7a: {  	[sflag:s25] =	ssyncadd.s32 $0xFFFFC000  }
0x7b: {  	[tilespmem:s16], [sflag:$0x3] =	stream.indirect.gather [hbm4b:s4+s15], $0x80, s3, s15, $0xb8;
	[tilespmem:$0x1E600] =	vst v63  }
0x7c: {  	s30 =	sadd.s32 $0x40, s30  }
0x7d: {  	[tilespmem:s17], [sflag:$0x2] =	stream.linear.gather [hbm4b:s12+s3], $0x100, $0x38;
	[tilespmem:$0x1E600] =	vst v63  }
0x7e: {  	_ =	swait.ge [sflag:s21], $0x4000  }
0x7f: {  	[sflag:s21] =	ssyncset.done $0x0  }
0x80: {  	s0 =	simm.s32 $0xA800;
	[sflag:s21] =	ssyncadd.s32 $0xFFFFC000  }
0x81: {  	[spmem:s2] =	stream.indirect.scatter.add.f32 [tilespmem:s16], [sflag:$0x5], $0x80, s0, s15, $0xb8;
	[tilespmem:$0x1E600] =	vst v63  }
0x82: {  	_ =	swait.ge [sflag:s22], $0x4000  }
0x83: {  	[sflag:s22] =	ssyncset.done $0x0  }
0x84: {  	[sflag:s22] =	ssyncadd.s32 $0xFFFFC000  }
0x85: {  	[tilespmem:s18], [sflag:$0x4] =	stream.indirect.gather [hbm4b:s4+s15], $0x80, s15, s15, $0xb8;
	[tilespmem:$0x1E600] =	vst v63  }
0x86: {  	_ =	swait.ge [sflag:s23], $0x4000  }
0x87: {  	[sflag:s23] =	ssyncset.done $0x0  }
0x88: {  	s12 =	simm.s32 $0xA880;
	[sflag:s23] =	ssyncadd.s32 $0xFFFFC000  }
0x89: {  	[spmem:s2] =	stream.indirect.scatter.add.f32 [tilespmem:s18], [sflag:$0x6], $0x80, s12, s15, $0xb8;
	[tilespmem:$0x1E600] =	vst v63  }
0x8a: {  	_ =	swait.ge [sflag:s24], $0x100  }
0x8b: {  	[sflag:s24] =	ssyncset.done $0x0  }
0x8c: {  	[sflag:s24] =	ssyncadd.s32 $0xFFFFFF00  }
0x8d: {  	_ =	swait.ge [sflag:s25], $0x4000  }
0x8e: {  	[sflag:s25] =	ssyncset.done $0x0  }
0x8f: {  	[sflag:s25] =	ssyncadd.s32 $0xFFFFC000  }
0x90: {  	[tilespmem:s16], [sflag:$0x3] =	stream.indirect.gather [hbm4b:s4+s15], $0x80, s17, s15, $0xb8;
	[tilespmem:$0x1E600] =	vst v63  }
0x91: {  	_ = 	snop  }
0x92: {  	[tilespmem:s3], [sflag:$0x1] =	stream.linear.gather [hbm4b:s8+s3], $0x100, $0x38;
	[tilespmem:$0x1E600] =	vst v63  }
0x93: {  	_ =	swait.ge [sflag:s21], $0x4000  }
0x94: {  	[sflag:s21] =	ssyncset.done $0x0  }
0x95: {  	s29 =	simm.s32 $0xA900;
	[sflag:s21] =	ssyncadd.s32 $0xFFFFC000  }
0x96: {  	[spmem:s2] =	stream.indirect.scatter.add.f32 [tilespmem:s16], [sflag:$0x5], $0x80, s29, s15, $0xb8;
	[tilespmem:$0x1E600] =	vst v63  }
0x97: {  	_ =	swait.ge [sflag:s22], $0x4000  }
0x98: {  	[sflag:s22] =	ssyncset.done $0x0  }
0x99: {  	[sflag:s22] =	ssyncadd.s32 $0xFFFFC000  }
0x9a: {  	[tilespmem:s18], [sflag:$0x4] =	stream.indirect.gather [hbm4b:s4+s15], $0x80, s26, s15, $0xb8;
	[tilespmem:$0x1E600] =	vst v63  }
0x9b: {  	_ =	swait.ge [sflag:s23], $0x4000  }
0x9c: {  	[sflag:s23] =	ssyncset.done $0x0  }
0x9d: {  	s30 =	simm.s32 $0xA980;
	[sflag:s23] =	ssyncadd.s32 $0xFFFFC000  }
0x9e: {  	[spmem:s2] =	stream.indirect.scatter.add.f32 [tilespmem:s18], [sflag:$0x6], $0x80, s30, s15, $0xb8;
	[tilespmem:$0x1E600] =	vst v63  }
0x9f: {  	_ =	swait.ge [sflag:s28], $0x100  }
0xa0: {  	[sflag:s28] =	ssyncset.done $0x0  }
0xa1: {  	[sflag:s28] =	ssyncadd.s32 $0xFFFFFF00  }
0xa2: {  	_ =	swait.ge [sflag:s25], $0x4000  }
0xa3: {  	[sflag:s25] =	ssyncset.done $0x0  }
0xa4: {  	[sflag:s25] =	ssyncadd.s32 $0xFFFFC000  }
0xa5: {  	[tilespmem:s16], [sflag:$0x3] =	stream.indirect.gather [hbm4b:s4+s15], $0x80, s3, s15, $0xb8;
	[tilespmem:$0x1E600] =	vst v63  }
0xa6: {  	_ = 	snop  }
0xa7: {  	[tilespmem:s17], [sflag:$0x2] =	stream.linear.gather [hbm4b:s9+s3], $0x100, $0x38;
	[tilespmem:$0x1E600] =	vst v63  }
0xa8: {  	_ =	swait.ge [sflag:s22], $0x4000  }
0xa9: {  	[sflag:s22] =	ssyncset.done $0x0  }
0xaa: {  	[sflag:s22] =	ssyncadd.s32 $0xFFFFC000  }
0xab: {  	_ =	swait.ge [sflag:s21], $0x4000  }
0xac: {  	[sflag:s21] =	ssyncset.done $0x0  }
0xad: {  	[sflag:s21] =	ssyncadd.s32 $0xFFFFC000  }
0xae: {  	_ =	swait.ge [sflag:s24], $0x100  }
0xaf: {  	s1 =	sadd.s32 $0x1, s1;
	[sflag:s24] =	ssyncset.done $0x0  }
0xb0: {  	p0 =	sne.s32 s1, s10;
	[sflag:s24] =	ssyncadd.s32 $0xFFFFFF00  }
.Ltmp1:
0xb1: {  	[bflag:$0x0] =	sbarrier.arrive $0xFFFF;
	(pc) =	sbr.rel @p0 .LBB2_1-.Ltmp1, $4  }
0xb2: {  	[hbm:s11], [sflag:s19] =	dma.local [spmem:s20], $0x2780  }
0xb3: {  	_ =	swait.ge [sflag:s14], $0x2780  }
0xb4: {  	[sflag:s14] =	ssyncset.done $0x0  }
0xb5: {  	[sflag:s14] =	ssyncadd.s32 $0xFFFFD880  }
0xb6: {  	_ =	sfence.sel $0x180000  }
0xb7: {  	[bflag:$0x0] =	sbarrier.arrive $0xFFFF  }
0xb8: {  	_ =	strace $0x90000047  }
0xb9: {  	s0 =	stileid.u32;
	[bflag:$0x2] =	sbarrier.arrive $0xFFFF  }
0xba: {  	p0 =	sne.s32 s0, $0x0;
	s0 =	rddreg [dreg:$0x2]  }
0xbb: {  	s0 =	sadd.s32 @!p0 $0x100000, s0  }
0xbc: {  	[sflag:s0] =	ssyncadd.tile.s32 @!p0 $0x1;
	_ =	shalt  }
.Lfunc_end2:
_tile_overlayer_lowered:
.L_overlay_start_2:
0xbd: {  	(tag) =	ssettag $0x2  }
0xbe: {  	s0 =	rddreg [dreg:$0x0];
	s2 =	stileid.u32  }
0xbf: {  	s1 =	rddreg [dreg:$0x1];
	p0 =	sne.s32 s2, $0x0  }
0xc0: {  	s3 =	rddreg [dreg:$0x2];
	[bflag:$0x3] =	sbarrier.arrive $0xFFFF;
	s2 =	simm.s32 @!p0 $0x1C07  }
0xc1: {  	[timem:s3], [sflag:s2] =	dma.local @!p0 [hbm:s0], s1  }
0xc2: {  	s0 =	simm.s32 @!p0 $0x7  }
0xc3: {  	_ =	swait.ge @!p0 [sflag:s0], s1  }
0xc4: {  	s1 =	ssub.s32 @!p0 $0x0, s1;
	[sflag:s0] =	ssyncset.done @!p0 $0x0  }
0xc5: {  	[sflag:s0] =	ssyncadd.s32 @!p0 s1  }
0xc6: {  	[bflag:$0x3] =	sbarrier.arrive $0xFFFF  }
0xc7: {  	_ =	shalt  }

</sc_bundles>
